<compile_context>
chip_gen: v7x
topology: tpu7x:2x2x1
jax: 0.10.2.dev20260603
libtpu: 0.0.44.dev20260713+nightly
codegen_flags: <defaults>
</compile_context>

<pallas_src>
import jax
import jax.numpy as jnp
import numpy as np
from jax import lax
from jax.experimental import pallas as pl
from jax.experimental.pallas import tpu as pltpu
from jax.experimental.pallas import tpu_sc as plsc

N_NODES = 248
N_EDGES = 4096
_NPAD = 256
_ROWS = N_EDGES // 128
_MBLK = N_NODES * 128
_MOUT = 2 * _MBLK

_W2PAD_NP = np.zeros((180, 8), np.float32)


def _sc_body(edges_hbm, out_hbm,
             edges_v, dst2_v, ones_v, zed_v, deg_v, dinv_v,
             norm_v, fidx_v, m_sh, deg_sh, sem):
    cid = lax.axis_index("c")
    sid = lax.axis_index("s")
    zchunk = _MOUT // 16

    @pl.when(cid == 0)
    def _():
        t = sid

        handles = []
        for slot in range(2):
            j = t + slot * 16
            handles.append(
                pltpu.async_copy(edges_hbm.at[pl.ds(j * 256, 256)],
                                 edges_v.at[pl.ds(slot * 256, 256)], sem))
            handles.append(
                pltpu.async_copy(edges_hbm.at[pl.ds(j * 256 + 128, 128)],
                                 dst2_v.at[slot], sem))

        def _ones_it(i, _):
            ones_v[pl.ds(i * 16, 16)] = jnp.full((16,), 1.0, jnp.float32)
            return 0

        lax.fori_loop(0, _NPAD // 16, _ones_it, 0)

        def _zed_it(i, _):
            zed_v[pl.ds(i * 16, 16)] = jnp.zeros((16,), jnp.float32)
            return 0

        lax.fori_loop(0, zchunk // 16, _zed_it, 0)

        pltpu.sync_copy(zed_v, m_sh.at[pl.ds(t * zchunk, zchunk)])

        @pl.when(t == 0)
        def _():
            pltpu.sync_copy(zed_v.at[pl.ds(0, _NPAD)], deg_sh)
        for h in handles:
            h.wait()
        plsc.subcore_barrier()

        handles = []
        for slot in range(2):
            handles.append(
                pltpu.async_copy(ones_v.at[pl.ds(slot * 128, 128)],
                                 deg_sh.at[dst2_v.at[slot]], sem, add=True))
        for h in handles:
            h.wait()
        plsc.subcore_barrier()

        pltpu.sync_copy(deg_sh, deg_v)

        def _dinv_it(i, _):
            d = deg_v[pl.ds(i * 16, 16)] + 1.0
            di = plsc.bitcast(d, jnp.int32)
            y = plsc.bitcast(0x5F3759DF - (di >> 1), jnp.float32)
            for _ in range(3):
                y = y * (1.5 - 0.5 * d * y * y)
            dinv_v[pl.ds(i * 16, 16)] = y
            return 0

        lax.fori_loop(0, _NPAD // 16, _dinv_it, 0)

        for slot in range(2):
            def _edge_it(k, _, slot=slot):
                s16 = edges_v[pl.ds(slot * 256 + k * 16, 16)]
                d16 = edges_v[pl.ds(slot * 256 + 128 + k * 16, 16)]
                ns = plsc.load_gather(dinv_v, [s16])
                nd = plsc.load_gather(dinv_v, [d16])
                norm_v[slot, pl.ds(k * 16, 16)] = ns * nd
                fidx_v[slot, pl.ds(k * 16, 16)] = (
                    s16 * 128 + d16
                    + jnp.where(d16 >= 128, _MBLK - 128, 0))
                return 0

            lax.fori_loop(0, 8, _edge_it, 0)

        @pl.when(t < 2)
        def _():
            def _self_it(k, _):
                jvec = lax.iota(jnp.int32, 16) + t * 128 + k * 16
                valid = jvec < N_NODES
                dv = dinv_v[pl.ds(t * 128 + k * 16, 16)]
                sidx = jvec * 129 + jnp.where(jvec >= 128, _MBLK - 128, 0)
                norm_v[2, pl.ds(k * 16, 16)] = jnp.where(valid, dv * dv, 0.0)
                fidx_v[2, pl.ds(k * 16, 16)] = jnp.where(
                    valid, sidx, _MOUT - 1)
                return 0

            lax.fori_loop(0, 8, _self_it, 0)

        handles = []
        for slot in range(2):
            handles.append(
                pltpu.async_copy(norm_v.at[slot], m_sh.at[fidx_v.at[slot]],
                                 sem, add=True))

        @pl.when(t < 2)
        def _():
            pltpu.sync_copy(norm_v.at[2], m_sh.at[fidx_v.at[2]], add=True)
        for h in handles:
            h.wait()
        plsc.subcore_barrier()

        @pl.when(t == 0)
        def _():
            pltpu.sync_copy(m_sh, out_hbm)


@jax.jit
def _build_operator(edge_index):
    edges1 = jnp.transpose(edge_index.reshape(2, _ROWS, 128),
                           (1, 0, 2)).reshape(2 * N_EDGES)
    mesh = plsc.VectorSubcoreMesh(core_axis_name="c", subcore_axis_name="s")
    m_flat = pl.kernel(
        _sc_body,
        out_type=jax.ShapeDtypeStruct((_MOUT,), jnp.float32),
        mesh=mesh,
        compiler_params=pltpu.CompilerParams(needs_layout_passes=False),
        scratch_types=[
            pltpu.VMEM((512,), jnp.int32),
            pltpu.VMEM((2, 128), jnp.int32),
            pltpu.VMEM((_NPAD,), jnp.float32),
            pltpu.VMEM((_MOUT // 16,), jnp.float32),
            pltpu.VMEM((_NPAD,), jnp.float32),
            pltpu.VMEM((_NPAD,), jnp.float32),
            pltpu.VMEM((3, 128), jnp.float32),
            pltpu.VMEM((3, 128), jnp.int32),
            pltpu.VMEM_SHARED((_MOUT,), jnp.float32),
            pltpu.VMEM_SHARED((_NPAD,), jnp.float32),
            pltpu.SemaphoreType.DMA,
        ],
    )(edges1)
    return m_flat.reshape(2 * N_NODES, 128)


def _tc_body(params_ref, m_ref, w2_ref, b2_ref, w3_ref, b3_ref, xt_ref,
             out_ref, xp_ref):
    s1 = params_ref[0]
    b1 = params_ref[1]
    s2 = params_ref[2]
    bb = params_ref[3]
    xv = xt_ref[...]
    xp_ref[...] = xv
    mv = m_ref[...]
    ha = lax.dot_general(mv[0:N_NODES, :], xv, (((0,), (0,)), ((), ())),
                         preferred_element_type=jnp.float32)
    hb = lax.dot_general(mv[N_NODES:2 * N_NODES, :], xv,
                         (((0,), (0,)), ((), ())),
                         preferred_element_type=jnp.float32)
    h = jnp.concatenate([ha, hb], axis=0)
    h = jnp.tanh(h * s1 + b1) * s2 + bb
    h = lax.dot_general(w2_ref[...], h, (((1,), (0,)), ((), ())),
                        preferred_element_type=jnp.float32) + b2_ref[...]
    h = jnp.tanh(h)
    out_ref[...] = lax.dot_general(w3_ref[...], h, (((1,), (0,)), ((), ())),
                                   preferred_element_type=jnp.float32) + b3_ref[...]


def _fused_mlp(params, mt, w2, b2, w3, b3, xt, block_b=8192):
    n = xt.shape[0]
    batch = xt.shape[1]
    d2 = w2.shape[0]
    d3 = w3.shape[0]
    grid = (batch // block_b,)
    return pl.pallas_call(
        _tc_body,
        grid=grid,
        in_specs=[
            pl.BlockSpec(memory_space=pltpu.SMEM),
            pl.BlockSpec((2 * n, 128), lambda i: (0, 0)),
            pl.BlockSpec((d2, 2 * 128), lambda i: (0, 0)),
            pl.BlockSpec((d2, 1), lambda i: (0, 0)),
            pl.BlockSpec((d3, d2), lambda i: (0, 0)),
            pl.BlockSpec((d3, 1), lambda i: (0, 0)),
            pl.BlockSpec((n, block_b), lambda i: (0, i)),
        ],
        out_specs=[pl.BlockSpec((d3, block_b), lambda i: (0, i)),
                   pl.BlockSpec((n, block_b), lambda i: (0, i))],
        out_shape=[jax.ShapeDtypeStruct((d3, batch), jnp.float32),
                   jax.ShapeDtypeStruct((n, batch), jnp.float32)],
        compiler_params=pltpu.CompilerParams(
            dimension_semantics=("parallel",),
            fuse_transposed_lhs_in_matmul=True),
    )(params, mt, w2, b2, w3, b3, xt)


def kernel(x, edge_index, gcn_w, gcn_b, bn_gamma, bn_beta, w2, b2, w3, b3):
    batch = x.shape[0]
    mt = _build_operator(edge_index)
    params = jnp.stack([
        gcn_w[0, 0],
        gcn_b[0],
        bn_gamma[0] * lax.rsqrt(jnp.float32(1.0 + 1e-5)),
        bn_beta[0],
    ])
    xt = jnp.transpose(x.reshape(batch, N_NODES))
    w2p = jnp.concatenate([w2, _W2PAD_NP], axis=1)
    out_t, xp_t = _fused_mlp(params, mt, w2p, b2.reshape(-1, 1), w3,
                             b3.reshape(-1, 1), xt)
    d3 = w3.shape[0]
    out = jnp.transpose(out_t).reshape(batch, 1, d3)
    xp = jnp.transpose(xp_t).reshape(batch, 1, N_NODES)
    return (xp, out)

# --- scband reference (transcript-rebuilt; emitter-appended) ---
"""Pipeline reference for scband-gen-auto-encoder-gcn-encoder-graph-zone0-56530359550896 (READ-ONLY COPY).

The authoritative reference and input builder live on the scoring server;
editing this copy changes nothing except your own understanding.
"""

import jax, jax.numpy as jnp
import numpy as np

N_NODES = 248
N_EDGES = 4096
BATCH = 16384


def setup_inputs(seed: int = 0) -> dict:
    key = jax.random.key(seed)
    ks = jax.random.split(key, 8)
    x = jax.random.normal(ks[0], (BATCH, 1, N_NODES), dtype=jnp.float32)
    edge_index = jax.random.randint(ks[1], (2, N_EDGES), 0, N_NODES, dtype=jnp.int32)
    # GCNConv(in_channels=1, out_channels=1): glorot weight [1,1] + bias [1]
    gcn_w = jax.random.normal(ks[2], (1, 1), dtype=jnp.float32) * np.sqrt(6.0 / 2.0)
    gcn_b = jnp.zeros((1,), dtype=jnp.float32)
    # BatchNorm1d(num_features=1, affine=True), eval mode running stats mean=0, var=1
    bn_gamma = jnp.ones((1,), dtype=jnp.float32)
    bn_beta = jnp.zeros((1,), dtype=jnp.float32)
    # Linear(248 -> 180)
    w2 = jax.random.uniform(ks[3], (180, 248), dtype=jnp.float32, minval=-1.0, maxval=1.0) / np.sqrt(248.0)
    b2 = jnp.zeros((180,), dtype=jnp.float32)
    # Linear(180 -> 80)
    w3 = jax.random.uniform(ks[4], (80, 180), dtype=jnp.float32, minval=-1.0, maxval=1.0) / np.sqrt(180.0)
    b3 = jnp.zeros((80,), dtype=jnp.float32)
    return {"x": x, "edge_index": edge_index, "gcn_w": gcn_w, "gcn_b": gcn_b,
            "bn_gamma": bn_gamma, "bn_beta": bn_beta, "w2": w2, "b2": b2, "w3": w3, "b3": b3}


def _gcn_conv(x_nodes, edge_index, W, b):
    # x_nodes: [B, N, 1]; GCNConv with add_self_loops=True, symmetric normalization
    N = x_nodes.shape[1]
    src = edge_index[0]
    dst = edge_index[1]
    loops = jnp.arange(N, dtype=src.dtype)
    src = jnp.concatenate([src, loops])
    dst = jnp.concatenate([dst, loops])
    deg = jnp.zeros((N,), dtype=x_nodes.dtype).at[dst].add(1.0)
    dinv = jnp.where(deg > 0, deg ** -0.5, 0.0)
    norm = dinv[src] * dinv[dst]  # [E+N]
    xw = x_nodes @ W.T            # [B, N, 1] (lin, no bias)
    msgs = jnp.take(xw, src, axis=1) * norm[None, :, None]  # gather -> [B, E+N, 1]
    out = jnp.zeros_like(xw).at[:, dst, :].add(msgs)         # scatter-add over nodes
    return out + b[None, None, :]


def reference(x, edge_index, gcn_w, gcn_b, bn_gamma, bn_beta, w2, b2, w3, b3):
    h = jnp.transpose(x, (0, 2, 1))          # [B, 248, 1]
    h = _gcn_conv(h, edge_index, gcn_w, gcn_b)
    h = jnp.transpose(h, (0, 2, 1))          # [B, 1, 248]
    h = jnp.tanh(h)
    # dropout p=0.2 -> identity in eval
    # BatchNorm1d(1) eval: (h - running_mean)/sqrt(running_var + eps) * gamma + beta
    h = (h - 0.0) / jnp.sqrt(1.0 + 1e-5) * bn_gamma[None, :, None] + bn_beta[None, :, None]
    h = h @ w2.T + b2                        # [B, 1, 180]
    h = jnp.tanh(h)
    # dropout p=0.2 -> identity in eval
    h = h @ w3.T + b3                        # [B, 1, 80]
    return (x, h)  # {'x_input': x, 'x_output': h}

if __name__ == "__main__":
    import jax
    _d = setup_inputs()
    print(jax.jit(kernel)(*tuple(_d.values())))

</pallas_src>

<mosaic_0001>
#map = affine_map<(d0, d1) -> (0)>
module attributes {stable_mosaic.version = 14 : i64} {
  func.func @_sc_body(%arg0: i32, %arg1: i32, %arg2: memref<8192xi32, #tpu.memory_space<hbm>>, %arg3: memref<63488xf32, #tpu.memory_space<hbm>>, %arg4: memref<512xi32, #tpu.memory_space<vmem>>, %arg5: memref<2x128xi32, #tpu.memory_space<vmem>>, %arg6: memref<256xf32, #tpu.memory_space<vmem>>, %arg7: memref<3968xf32, #tpu.memory_space<vmem>>, %arg8: memref<256xf32, #tpu.memory_space<vmem>>, %arg9: memref<256xf32, #tpu.memory_space<vmem>>, %arg10: memref<3x128xf32, #tpu.memory_space<vmem>>, %arg11: memref<3x128xi32, #tpu.memory_space<vmem>>, %arg12: memref<63488xf32, #tpu.memory_space<vmem_shared>>, %arg13: memref<256xf32, #tpu.memory_space<vmem_shared>>, %arg14: memref<!tpu.dma_semaphore, #tpu.memory_space<semaphore_mem>>) attributes {dimension_semantics = [#tpu.dimension_semantics<core_parallel>, #tpu.dimension_semantics<subcore_parallel>], iteration_bounds = array<i64: 2, 16>, scalar_prefetch = 0 : i64, scratch_operands = 11 : i64, tpu.core_type = #tpu.core_type<sc_vector_subcore>, window_params = [{transform_indices = #map}, {transform_indices = #map}]} {
    %eq3A = arith.constant 0 : i32
    %eq3A_0 = arith.cmpi eq, %arg0, %eq3A : i32
    %convert_element_type3A = arith.extui %eq3A_0 : i1 to i32
    %cond3A = arith.constant 0 : i32
    %cond3A_1 = arith.cmpi ne, %convert_element_type3A, %cond3A : i32
    scf.if %cond3A_1 {
      %add3A = arith.constant 0 : i32
      %add3A_2 = arith.addi %arg1, %add3A : i32
      %mul3A = arith.constant 256 : i32
      %mul3A_3 = arith.muli %add3A_2, %mul3A : i32
      %dma_start3A = arith.constant 0 : i32
      %dma_start3A_4 = tpu.memref_slice %arg4[%dma_start3A] : memref<512xi32, #tpu.memory_space<vmem>> -> memref<256xi32, #tpu.memory_space<vmem>>
      %dma_start3A_5 = tpu.memref_slice %arg2[%mul3A_3] : memref<8192xi32, #tpu.memory_space<hbm>> -> memref<256xi32, #tpu.memory_space<hbm>>
      %dma_start3A_6 = arith.constant 0 : i32
      %dma_start3A_7 = tpu.memref_slice %arg4[%dma_start3A_6] : memref<512xi32, #tpu.memory_space<vmem>> -> memref<256xi32, #tpu.memory_space<vmem>>
      %dma_start3A_8 = tpu.memref_slice %arg2[%mul3A_3] : memref<8192xi32, #tpu.memory_space<hbm>> -> memref<256xi32, #tpu.memory_space<hbm>>
      tpu.enqueue_dma source(%dma_start3A_8 : memref<256xi32, #tpu.memory_space<hbm>>) target(%dma_start3A_7 : memref<256xi32, #tpu.memory_space<vmem>>) target_semaphore(%arg14 : memref<!tpu.dma_semaphore, #tpu.memory_space<semaphore_mem>>)
      %mul3A_9 = arith.constant 256 : i32
      %mul3A_10 = arith.muli %add3A_2, %mul3A_9 : i32
      %add3A_11 = arith.constant 128 : i32
      %add3A_12 = arith.addi %mul3A_10, %add3A_11 : i32
      %dma_start3A_13 = arith.constant 0 : i32
      %dma_start3A_14 = arith.constant 0 : i32
      %dma_start3A_15 = tpu.memref_slice %arg5[%dma_start3A_13, %dma_start3A_14] : memref<2x128xi32, #tpu.memory_space<vmem>> -> memref<1x128xi32, #tpu.memory_space<vmem>>
      %dma_start3A_16 = tpu.memref_squeeze %dma_start3A_15 : memref<1x128xi32, #tpu.memory_space<vmem>> -> memref<128xi32, #tpu.memory_space<vmem>>
      %dma_start3A_17 = tpu.memref_slice %arg2[%add3A_12] : memref<8192xi32, #tpu.memory_space<hbm>> -> memref<128xi32, #tpu.memory_space<hbm>>
      %dma_start3A_18 = arith.constant 0 : i32
      %dma_start3A_19 = tpu.memref_slice %arg5[%dma_start3A_13, %dma_start3A_18] : memref<2x128xi32, #tpu.memory_space<vmem>> -> memref<1x128xi32, #tpu.memory_space<vmem>>
      %dma_start3A_20 = tpu.memref_squeeze %dma_start3A_19 : memref<1x128xi32, #tpu.memory_space<vmem>> -> memref<128xi32, #tpu.memory_space<vmem>>
      %dma_start3A_21 = tpu.memref_slice %arg2[%add3A_12] : memref<8192xi32, #tpu.memory_space<hbm>> -> memref<128xi32, #tpu.memory_space<hbm>>
      tpu.enqueue_dma source(%dma_start3A_21 : memref<128xi32, #tpu.memory_space<hbm>>) target(%dma_start3A_20 : memref<128xi32, #tpu.memory_space<vmem>>) target_semaphore(%arg14 : memref<!tpu.dma_semaphore, #tpu.memory_space<semaphore_mem>>)
      %add3A_22 = arith.constant 16 : i32
      %add3A_23 = arith.addi %arg1, %add3A_22 : i32
      %mul3A_24 = arith.constant 256 : i32
      %mul3A_25 = arith.muli %add3A_23, %mul3A_24 : i32
      %dma_start3A_26 = arith.constant 256 : i32
      %dma_start3A_27 = tpu.memref_slice %arg4[%dma_start3A_26] : memref<512xi32, #tpu.memory_space<vmem>> -> memref<256xi32, #tpu.memory_space<vmem>>
      %dma_start3A_28 = tpu.memref_slice %arg2[%mul3A_25] : memref<8192xi32, #tpu.memory_space<hbm>> -> memref<256xi32, #tpu.memory_space<hbm>>
      %dma_start3A_29 = arith.constant 256 : i32
      %dma_start3A_30 = tpu.memref_slice %arg4[%dma_start3A_29] : memref<512xi32, #tpu.memory_space<vmem>> -> memref<256xi32, #tpu.memory_space<vmem>>
      %dma_start3A_31 = tpu.memref_slice %arg2[%mul3A_25] : memref<8192xi32, #tpu.memory_space<hbm>> -> memref<256xi32, #tpu.memory_space<hbm>>
      tpu.enqueue_dma source(%dma_start3A_31 : memref<256xi32, #tpu.memory_space<hbm>>) target(%dma_start3A_30 : memref<256xi32, #tpu.memory_space<vmem>>) target_semaphore(%arg14 : memref<!tpu.dma_semaphore, #tpu.memory_space<semaphore_mem>>)
      %mul3A_32 = arith.constant 256 : i32
      %mul3A_33 = arith.muli %add3A_23, %mul3A_32 : i32
      %add3A_34 = arith.constant 128 : i32
      %add3A_35 = arith.addi %mul3A_33, %add3A_34 : i32
      %dma_start3A_36 = arith.constant 1 : i32
      %dma_start3A_37 = arith.constant 0 : i32
      %dma_start3A_38 = tpu.memref_slice %arg5[%dma_start3A_36, %dma_start3A_37] : memref<2x128xi32, #tpu.memory_space<vmem>> -> memref<1x128xi32, #tpu.memory_space<vmem>>
      %dma_start3A_39 = tpu.memref_squeeze %dma_start3A_38 : memref<1x128xi32, #tpu.memory_space<vmem>> -> memref<128xi32, #tpu.memory_space<vmem>>
      %dma_start3A_40 = tpu.memref_slice %arg2[%add3A_35] : memref<8192xi32, #tpu.memory_space<hbm>> -> memref<128xi32, #tpu.memory_space<hbm>>
      %dma_start3A_41 = arith.constant 0 : i32
      %dma_start3A_42 = tpu.memref_slice %arg5[%dma_start3A_36, %dma_start3A_41] : memref<2x128xi32, #tpu.memory_space<vmem>> -> memref<1x128xi32, #tpu.memory_space<vmem>>
      %dma_start3A_43 = tpu.memref_squeeze %dma_start3A_42 : memref<1x128xi32, #tpu.memory_space<vmem>> -> memref<128xi32, #tpu.memory_space<vmem>>
      %dma_start3A_44 = tpu.memref_slice %arg2[%add3A_35] : memref<8192xi32, #tpu.memory_space<hbm>> -> memref<128xi32, #tpu.memory_space<hbm>>
      tpu.enqueue_dma source(%dma_start3A_44 : memref<128xi32, #tpu.memory_space<hbm>>) target(%dma_start3A_43 : memref<128xi32, #tpu.memory_space<vmem>>) target_semaphore(%arg14 : memref<!tpu.dma_semaphore, #tpu.memory_space<semaphore_mem>>)
      %scan3A = arith.constant 0 : i32
      %scan3A_45 = arith.constant 0 : i32
      %scan3A_46 = arith.constant 16 : i32
      %scan3A_47 = arith.addi %scan3A_45, %scan3A_46 : i32
      %scan3A_48 = arith.constant 1 : i32
      %scan3A_49 = scf.for %scan3A_203 = %scan3A_45 to %scan3A_47 step %scan3A_48 iter_args(%scan3A_204 = %scan3A) -> (i32)  : i32 {
        %broadcast_in_dim3A = arith.constant 1.000000e+00 : f32
        %broadcast_in_dim3A_205 = vector.broadcast %broadcast_in_dim3A : f32 to vector<16xf32>
        %mul3A_206 = arith.constant 16 : i32
        %mul3A_207 = arith.muli %scan3A_203, %mul3A_206 : i32
        %swap3A = arith.index_cast %mul3A_207 : i32 to index
        %swap3A_208 = tpu.vector_load %arg6[%swap3A] {strides = array<i32>} : memref<256xf32, #tpu.memory_space<vmem>>, vector<16xf32>,
        tpu.vector_store %arg6[%swap3A], %broadcast_in_dim3A_205 {strides = array<i32>} : memref<256xf32, #tpu.memory_space<vmem>>, vector<16xf32>,
        %scan3A_209 = arith.constant 0 : i32
        scf.yield %scan3A_209 : i32
      }
      %scan3A_50 = arith.constant 16 : i32
      %scan3A_51 = arith.constant 0 : i32
      %scan3A_52 = arith.constant 0 : i32
      %scan3A_53 = arith.constant 248 : i32
      %scan3A_54 = arith.addi %scan3A_52, %scan3A_53 : i32
      %scan3A_55 = arith.constant 1 : i32
      %scan3A_56 = scf.for %scan3A_203 = %scan3A_52 to %scan3A_54 step %scan3A_55 iter_args(%scan3A_204 = %scan3A_51) -> (i32)  : i32 {
        %broadcast_in_dim3A = arith.constant 0.000000e+00 : f32
        %broadcast_in_dim3A_205 = vector.broadcast %broadcast_in_dim3A : f32 to vector<16xf32>
        %mul3A_206 = arith.constant 16 : i32
        %mul3A_207 = arith.muli %scan3A_203, %mul3A_206 : i32
        %swap3A = arith.index_cast %mul3A_207 : i32 to index
        %swap3A_208 = tpu.vector_load %arg7[%swap3A] {strides = array<i32>} : memref<3968xf32, #tpu.memory_space<vmem>>, vector<16xf32>,
        tpu.vector_store %arg7[%swap3A], %broadcast_in_dim3A_205 {strides = array<i32>} : memref<3968xf32, #tpu.memory_space<vmem>>, vector<16xf32>,
        %scan3A_209 = arith.constant 0 : i32
        scf.yield %scan3A_209 : i32
      }
      %scan3A_57 = arith.constant 248 : i32
      %mul3A_58 = arith.constant 3968 : i32
      %mul3A_59 = arith.muli %arg1, %mul3A_58 : i32
      "tpu.region"() ({
        %run_scoped3A = tpu.sem_alloc : memref<!tpu.dma_semaphore, #tpu.memory_space<semaphore_mem>>
        %dma_start3A_203 = tpu.memref_slice %arg12[%mul3A_59] : memref<63488xf32, #tpu.memory_space<vmem_shared>> -> memref<3968xf32, #tpu.memory_space<vmem_shared>>
        %dma_start3A_204 = tpu.memref_slice %arg12[%mul3A_59] : memref<63488xf32, #tpu.memory_space<vmem_shared>> -> memref<3968xf32, #tpu.memory_space<vmem_shared>>
        tpu.enqueue_dma source(%arg7 : memref<3968xf32, #tpu.memory_space<vmem>>) target(%dma_start3A_204 : memref<3968xf32, #tpu.memory_space<vmem_shared>>) target_semaphore(%run_scoped3A : memref<!tpu.dma_semaphore, #tpu.memory_space<semaphore_mem>>)
        %dma_wait3A_205 = tpu.memref_slice %arg12[%mul3A_59] : memref<63488xf32, #tpu.memory_space<vmem_shared>> -> memref<3968xf32, #tpu.memory_space<vmem_shared>>
        %dma_wait3A_206 = tpu.memref_slice %arg12[%mul3A_59] : memref<63488xf32, #tpu.memory_space<vmem_shared>> -> memref<3968xf32, #tpu.memory_space<vmem_shared>>
        tpu.wait_dma2 semaphore(%run_scoped3A : memref<!tpu.dma_semaphore, #tpu.memory_space<semaphore_mem>>) src(%arg7 : memref<3968xf32, #tpu.memory_space<vmem>>) dst(%dma_wait3A_206 : memref<3968xf32, #tpu.memory_space<vmem_shared>>)
        tpu.yield
      }) : () -> ()
      %eq3A_60 = arith.constant 0 : i32
      %eq3A_61 = arith.cmpi eq, %arg1, %eq3A_60 : i32
      %convert_element_type3A_62 = arith.extui %eq3A_61 : i1 to i32
      %cond3A_63 = arith.constant 0 : i32
      %cond3A_64 = arith.cmpi ne, %convert_element_type3A_62, %cond3A_63 : i32
      scf.if %cond3A_64 {
        "tpu.region"() ({
          %run_scoped3A = tpu.sem_alloc : memref<!tpu.dma_semaphore, #tpu.memory_space<semaphore_mem>>
          %dma_start3A_203 = arith.constant 0 : i32
          %dma_start3A_204 = tpu.memref_slice %arg7[%dma_start3A_203] : memref<3968xf32, #tpu.memory_space<vmem>> -> memref<256xf32, #tpu.memory_space<vmem>>
          %dma_start3A_205 = arith.constant 0 : i32
          %dma_start3A_206 = tpu.memref_slice %arg7[%dma_start3A_205] : memref<3968xf32, #tpu.memory_space<vmem>> -> memref<256xf32, #tpu.memory_space<vmem>>
          tpu.enqueue_dma source(%dma_start3A_206 : memref<256xf32, #tpu.memory_space<vmem>>) target(%arg13 : memref<256xf32, #tpu.memory_space<vmem_shared>>) target_semaphore(%run_scoped3A : memref<!tpu.dma_semaphore, #tpu.memory_space<semaphore_mem>>)
          %dma_wait3A_207 = arith.constant 0 : i32
          %dma_wait3A_208 = tpu.memref_slice %arg7[%dma_wait3A_207] : memref<3968xf32, #tpu.memory_space<vmem>> -> memref<256xf32, #tpu.memory_space<vmem>>
          %dma_wait3A_209 = arith.constant 0 : i32
          %dma_wait3A_210 = tpu.memref_slice %arg7[%dma_wait3A_209] : memref<3968xf32, #tpu.memory_space<vmem>> -> memref<256xf32, #tpu.memory_space<vmem>>
          tpu.wait_dma2 semaphore(%run_scoped3A : memref<!tpu.dma_semaphore, #tpu.memory_space<semaphore_mem>>) src(%dma_wait3A_210 : memref<256xf32, #tpu.memory_space<vmem>>) dst(%arg13 : memref<256xf32, #tpu.memory_space<vmem_shared>>)
          tpu.yield
        }) : () -> ()
      } else {
      }
      %dma_wait3A = arith.constant 0 : i32
      %dma_wait3A_65 = tpu.memref_slice %arg4[%dma_wait3A] : memref<512xi32, #tpu.memory_space<vmem>> -> memref<256xi32, #tpu.memory_space<vmem>>
      %dma_wait3A_66 = tpu.memref_slice %arg2[%mul3A_3] : memref<8192xi32, #tpu.memory_space<hbm>> -> memref<256xi32, #tpu.memory_space<hbm>>
      %dma_wait3A_67 = arith.constant 0 : i32
      %dma_wait3A_68 = tpu.memref_slice %arg4[%dma_wait3A_67] : memref<512xi32, #tpu.memory_space<vmem>> -> memref<256xi32, #tpu.memory_space<vmem>>
      %dma_wait3A_69 = tpu.memref_slice %arg2[%mul3A_3] : memref<8192xi32, #tpu.memory_space<hbm>> -> memref<256xi32, #tpu.memory_space<hbm>>
      tpu.wait_dma2 semaphore(%arg14 : memref<!tpu.dma_semaphore, #tpu.memory_space<semaphore_mem>>) src(%dma_wait3A_69 : memref<256xi32, #tpu.memory_space<hbm>>) dst(%dma_wait3A_68 : memref<256xi32, #tpu.memory_space<vmem>>)
      %dma_wait3A_70 = arith.constant 0 : i32
      %dma_wait3A_71 = arith.constant 0 : i32
      %dma_wait3A_72 = tpu.memref_slice %arg5[%dma_wait3A_70, %dma_wait3A_71] : memref<2x128xi32, #tpu.memory_space<vmem>> -> memref<1x128xi32, #tpu.memory_space<vmem>>
      %dma_wait3A_73 = tpu.memref_squeeze %dma_wait3A_72 : memref<1x128xi32, #tpu.memory_space<vmem>> -> memref<128xi32, #tpu.memory_space<vmem>>
      %dma_wait3A_74 = tpu.memref_slice %arg2[%add3A_12] : memref<8192xi32, #tpu.memory_space<hbm>> -> memref<128xi32, #tpu.memory_space<hbm>>
      %dma_wait3A_75 = arith.constant 0 : i32
      %dma_wait3A_76 = tpu.memref_slice %arg5[%dma_wait3A_70, %dma_wait3A_75] : memref<2x128xi32, #tpu.memory_space<vmem>> -> memref<1x128xi32, #tpu.memory_space<vmem>>
      %dma_wait3A_77 = tpu.memref_squeeze %dma_wait3A_76 : memref<1x128xi32, #tpu.memory_space<vmem>> -> memref<128xi32, #tpu.memory_space<vmem>>
      %dma_wait3A_78 = tpu.memref_slice %arg2[%add3A_12] : memref<8192xi32, #tpu.memory_space<hbm>> -> memref<128xi32, #tpu.memory_space<hbm>>
      tpu.wait_dma2 semaphore(%arg14 : memref<!tpu.dma_semaphore, #tpu.memory_space<semaphore_mem>>) src(%dma_wait3A_78 : memref<128xi32, #tpu.memory_space<hbm>>) dst(%dma_wait3A_77 : memref<128xi32, #tpu.memory_space<vmem>>)
      %dma_wait3A_79 = arith.constant 256 : i32
      %dma_wait3A_80 = tpu.memref_slice %arg4[%dma_wait3A_79] : memref<512xi32, #tpu.memory_space<vmem>> -> memref<256xi32, #tpu.memory_space<vmem>>
      %dma_wait3A_81 = tpu.memref_slice %arg2[%mul3A_25] : memref<8192xi32, #tpu.memory_space<hbm>> -> memref<256xi32, #tpu.memory_space<hbm>>
      %dma_wait3A_82 = arith.constant 256 : i32
      %dma_wait3A_83 = tpu.memref_slice %arg4[%dma_wait3A_82] : memref<512xi32, #tpu.memory_space<vmem>> -> memref<256xi32, #tpu.memory_space<vmem>>
      %dma_wait3A_84 = tpu.memref_slice %arg2[%mul3A_25] : memref<8192xi32, #tpu.memory_space<hbm>> -> memref<256xi32, #tpu.memory_space<hbm>>
      tpu.wait_dma2 semaphore(%arg14 : memref<!tpu.dma_semaphore, #tpu.memory_space<semaphore_mem>>) src(%dma_wait3A_84 : memref<256xi32, #tpu.memory_space<hbm>>) dst(%dma_wait3A_83 : memref<256xi32, #tpu.memory_space<vmem>>)
      %dma_wait3A_85 = arith.constant 1 : i32
      %dma_wait3A_86 = arith.constant 0 : i32
      %dma_wait3A_87 = tpu.memref_slice %arg5[%dma_wait3A_85, %dma_wait3A_86] : memref<2x128xi32, #tpu.memory_space<vmem>> -> memref<1x128xi32, #tpu.memory_space<vmem>>
      %dma_wait3A_88 = tpu.memref_squeeze %dma_wait3A_87 : memref<1x128xi32, #tpu.memory_space<vmem>> -> memref<128xi32, #tpu.memory_space<vmem>>
      %dma_wait3A_89 = tpu.memref_slice %arg2[%add3A_35] : memref<8192xi32, #tpu.memory_space<hbm>> -> memref<128xi32, #tpu.memory_space<hbm>>
      %dma_wait3A_90 = arith.constant 0 : i32
      %dma_wait3A_91 = tpu.memref_slice %arg5[%dma_wait3A_85, %dma_wait3A_90] : memref<2x128xi32, #tpu.memory_space<vmem>> -> memref<1x128xi32, #tpu.memory_space<vmem>>
      %dma_wait3A_92 = tpu.memref_squeeze %dma_wait3A_91 : memref<1x128xi32, #tpu.memory_space<vmem>> -> memref<128xi32, #tpu.memory_space<vmem>>
      %dma_wait3A_93 = tpu.memref_slice %arg2[%add3A_35] : memref<8192xi32, #tpu.memory_space<hbm>> -> memref<128xi32, #tpu.memory_space<hbm>>
      tpu.wait_dma2 semaphore(%arg14 : memref<!tpu.dma_semaphore, #tpu.memory_space<semaphore_mem>>) src(%dma_wait3A_93 : memref<128xi32, #tpu.memory_space<hbm>>) dst(%dma_wait3A_92 : memref<128xi32, #tpu.memory_space<vmem>>)
      %barrier3A = arith.constant 0 : index
      tpu.barrier barrier_id(%barrier3A)
      %dma_start3A_94 = arith.constant 0 : i32
      %dma_start3A_95 = arith.constant 0 : i32
      %dma_start3A_96 = tpu.memref_slice %arg6[%dma_start3A_95] : memref<256xf32, #tpu.memory_space<vmem>> -> memref<128xf32, #tpu.memory_space<vmem>>
      %dma_start3A_97 = arith.constant 0 : i32
      %dma_start3A_98 = tpu.memref_slice %arg5[%dma_start3A_94, %dma_start3A_97] : memref<2x128xi32, #tpu.memory_space<vmem>> -> memref<1x128xi32, #tpu.memory_space<vmem>>
      %dma_start3A_99 = tpu.memref_squeeze %dma_start3A_98 : memref<1x128xi32, #tpu.memory_space<vmem>> -> memref<128xi32, #tpu.memory_space<vmem>>
      %dma_start3A_100 = arith.constant 0 : i32
      %dma_start3A_101 = tpu.memref_slice %arg13[%dma_start3A_100] : memref<256xf32, #tpu.memory_space<vmem_shared>> -> memref<256xf32, #tpu.memory_space<vmem_shared>>
      tpu.enqueue_indirect_dma source(%dma_start3A_96 : memref<128xf32, #tpu.memory_space<vmem>>) target(%dma_start3A_101 : memref<256xf32, #tpu.memory_space<vmem_shared>>) offsets(%dma_start3A_99 : memref<128xi32, #tpu.memory_space<vmem>>) semaphore(%arg14 : memref<!tpu.dma_semaphore, #tpu.memory_space<semaphore_mem>>) {add = true}
      %dma_start3A_102 = arith.constant 1 : i32
      %dma_start3A_103 = arith.constant 128 : i32
      %dma_start3A_104 = tpu.memref_slice %arg6[%dma_start3A_103] : memref<256xf32, #tpu.memory_space<vmem>> -> memref<128xf32, #tpu.memory_space<vmem>>
      %dma_start3A_105 = arith.constant 0 : i32
      %dma_start3A_106 = tpu.memref_slice %arg5[%dma_start3A_102, %dma_start3A_105] : memref<2x128xi32, #tpu.memory_space<vmem>> -> memref<1x128xi32, #tpu.memory_space<vmem>>
      %dma_start3A_107 = tpu.memref_squeeze %dma_start3A_106 : memref<1x128xi32, #tpu.memory_space<vmem>> -> memref<128xi32, #tpu.memory_space<vmem>>
      %dma_start3A_108 = arith.constant 0 : i32
      %dma_start3A_109 = tpu.memref_slice %arg13[%dma_start3A_108] : memref<256xf32, #tpu.memory_space<vmem_shared>> -> memref<256xf32, #tpu.memory_space<vmem_shared>>
      tpu.enqueue_indirect_dma source(%dma_start3A_104 : memref<128xf32, #tpu.memory_space<vmem>>) target(%dma_start3A_109 : memref<256xf32, #tpu.memory_space<vmem_shared>>) offsets(%dma_start3A_107 : memref<128xi32, #tpu.memory_space<vmem>>) semaphore(%arg14 : memref<!tpu.dma_semaphore, #tpu.memory_space<semaphore_mem>>) {add = true}
      %dma_wait3A_110 = arith.constant 0 : i32
      %dma_wait3A_111 = arith.constant 0 : i32
      %dma_wait3A_112 = tpu.memref_slice %arg6[%dma_wait3A_111] : memref<256xf32, #tpu.memory_space<vmem>> -> memref<128xf32, #tpu.memory_space<vmem>>
      %dma_wait3A_113 = arith.constant 0 : i32
      %dma_wait3A_114 = tpu.memref_slice %arg5[%dma_wait3A_110, %dma_wait3A_113] : memref<2x128xi32, #tpu.memory_space<vmem>> -> memref<1x128xi32, #tpu.memory_space<vmem>>
      %dma_wait3A_115 = tpu.memref_squeeze %dma_wait3A_114 : memref<1x128xi32, #tpu.memory_space<vmem>> -> memref<128xi32, #tpu.memory_space<vmem>>
      %dma_wait3A_116 = arith.constant 0 : i32
      %dma_wait3A_117 = tpu.memref_slice %arg13[%dma_wait3A_116] : memref<256xf32, #tpu.memory_space<vmem_shared>> -> memref<256xf32, #tpu.memory_space<vmem_shared>>
      tpu.wait_indirect_dma semaphore(%arg14 : memref<!tpu.dma_semaphore, #tpu.memory_space<semaphore_mem>>) src(%dma_wait3A_112 : memref<128xf32, #tpu.memory_space<vmem>>) dst(%dma_wait3A_117 : memref<256xf32, #tpu.memory_space<vmem_shared>>)
      %dma_wait3A_118 = arith.constant 1 : i32
      %dma_wait3A_119 = arith.constant 128 : i32
      %dma_wait3A_120 = tpu.memref_slice %arg6[%dma_wait3A_119] : memref<256xf32, #tpu.memory_space<vmem>> -> memref<128xf32, #tpu.memory_space<vmem>>
      %dma_wait3A_121 = arith.constant 0 : i32
      %dma_wait3A_122 = tpu.memref_slice %arg5[%dma_wait3A_118, %dma_wait3A_121] : memref<2x128xi32, #tpu.memory_space<vmem>> -> memref<1x128xi32, #tpu.memory_space<vmem>>
      %dma_wait3A_123 = tpu.memref_squeeze %dma_wait3A_122 : memref<1x128xi32, #tpu.memory_space<vmem>> -> memref<128xi32, #tpu.memory_space<vmem>>
      %dma_wait3A_124 = arith.constant 0 : i32
      %dma_wait3A_125 = tpu.memref_slice %arg13[%dma_wait3A_124] : memref<256xf32, #tpu.memory_space<vmem_shared>> -> memref<256xf32, #tpu.memory_space<vmem_shared>>
      tpu.wait_indirect_dma semaphore(%arg14 : memref<!tpu.dma_semaphore, #tpu.memory_space<semaphore_mem>>) src(%dma_wait3A_120 : memref<128xf32, #tpu.memory_space<vmem>>) dst(%dma_wait3A_125 : memref<256xf32, #tpu.memory_space<vmem_shared>>)
      %barrier3A_126 = arith.constant 0 : index
      tpu.barrier barrier_id(%barrier3A_126)
      "tpu.region"() ({
        %run_scoped3A = tpu.sem_alloc : memref<!tpu.dma_semaphore, #tpu.memory_space<semaphore_mem>>
        tpu.enqueue_dma source(%arg13 : memref<256xf32, #tpu.memory_space<vmem_shared>>) target(%arg8 : memref<256xf32, #tpu.memory_space<vmem>>) target_semaphore(%run_scoped3A : memref<!tpu.dma_semaphore, #tpu.memory_space<semaphore_mem>>)
        tpu.wait_dma2 semaphore(%run_scoped3A : memref<!tpu.dma_semaphore, #tpu.memory_space<semaphore_mem>>) src(%arg13 : memref<256xf32, #tpu.memory_space<vmem_shared>>) dst(%arg8 : memref<256xf32, #tpu.memory_space<vmem>>)
        tpu.yield
      }) : () -> ()
      %scan3A_127 = arith.constant 0 : i32
      %scan3A_128 = arith.constant 0 : i32
      %scan3A_129 = arith.constant 16 : i32
      %scan3A_130 = arith.addi %scan3A_128, %scan3A_129 : i32
      %scan3A_131 = arith.constant 1 : i32
      %scan3A_132 = scf.for %scan3A_203 = %scan3A_128 to %scan3A_130 step %scan3A_131 iter_args(%scan3A_204 = %scan3A_127) -> (i32)  : i32 {
        %mul3A_205 = arith.constant 16 : i32
        %mul3A_206 = arith.muli %scan3A_203, %mul3A_205 : i32
        %get3A = arith.index_cast %mul3A_206 : i32 to index
        %get3A_207 = tpu.vector_load %arg8[%get3A] {strides = array<i32>} : memref<256xf32, #tpu.memory_space<vmem>>, vector<16xf32>,
        %add3A_208 = arith.constant 1.000000e+00 : f32
        %add3A_209 = vector.broadcast %add3A_208 : f32 to vector<16xf32>
        %add3A_210 = arith.addf %get3A_207, %add3A_209 : vector<16xf32>
        %bitcast3A = vector.bitcast %add3A_210 : vector<16xf32> to vector<16xi32>
        %shift_right_arithmetic3A = arith.constant 1 : i32
        %shift_right_arithmetic3A_211 = vector.broadcast %shift_right_arithmetic3A : i32 to vector<16xi32>
        %shift_right_arithmetic3A_212 = arith.shrsi %bitcast3A, %shift_right_arithmetic3A_211 : vector<16xi32>
        %sub3A = arith.constant 1597463007 : i32
        %sub3A_213 = vector.broadcast %sub3A : i32 to vector<16xi32>
        %sub3A_214 = arith.subi %sub3A_213, %shift_right_arithmetic3A_212 : vector<16xi32>
        %bitcast3A_215 = vector.bitcast %sub3A_214 : vector<16xi32> to vector<16xf32>
        %mul3A_216 = arith.constant 5.000000e-01 : f32
        %mul3A_217 = vector.broadcast %mul3A_216 : f32 to vector<16xf32>
        %mul3A_218 = arith.mulf %mul3A_217, %add3A_210 : vector<16xf32>
        %mul3A_219 = arith.mulf %mul3A_218, %bitcast3A_215 : vector<16xf32>
        %mul3A_220 = arith.mulf %mul3A_219, %bitcast3A_215 : vector<16xf32>
        %sub3A_221 = arith.constant 1.500000e+00 : f32
        %sub3A_222 = vector.broadcast %sub3A_221 : f32 to vector<16xf32>
        %sub3A_223 = arith.subf %sub3A_222, %mul3A_220 : vector<16xf32>
        %mul3A_224 = arith.mulf %bitcast3A_215, %sub3A_223 : vector<16xf32>
        %mul3A_225 = arith.constant 5.000000e-01 : f32
        %mul3A_226 = vector.broadcast %mul3A_225 : f32 to vector<16xf32>
        %mul3A_227 = arith.mulf %mul3A_226, %add3A_210 : vector<16xf32>
        %mul3A_228 = arith.mulf %mul3A_227, %mul3A_224 : vector<16xf32>
        %mul3A_229 = arith.mulf %mul3A_228, %mul3A_224 : vector<16xf32>
        %sub3A_230 = arith.constant 1.500000e+00 : f32
        %sub3A_231 = vector.broadcast %sub3A_230 : f32 to vector<16xf32>
        %sub3A_232 = arith.subf %sub3A_231, %mul3A_229 : vector<16xf32>
        %mul3A_233 = arith.mulf %mul3A_224, %sub3A_232 : vector<16xf32>
        %mul3A_234 = arith.constant 5.000000e-01 : f32
        %mul3A_235 = vector.broadcast %mul3A_234 : f32 to vector<16xf32>
        %mul3A_236 = arith.mulf %mul3A_235, %add3A_210 : vector<16xf32>
        %mul3A_237 = arith.mulf %mul3A_236, %mul3A_233 : vector<16xf32>
        %mul3A_238 = arith.mulf %mul3A_237, %mul3A_233 : vector<16xf32>
        %sub3A_239 = arith.constant 1.500000e+00 : f32
        %sub3A_240 = vector.broadcast %sub3A_239 : f32 to vector<16xf32>
        %sub3A_241 = arith.subf %sub3A_240, %mul3A_238 : vector<16xf32>
        %mul3A_242 = arith.mulf %mul3A_233, %sub3A_241 : vector<16xf32>
        %mul3A_243 = arith.constant 16 : i32
        %mul3A_244 = arith.muli %scan3A_203, %mul3A_243 : i32
        %swap3A = arith.index_cast %mul3A_244 : i32 to index
        %swap3A_245 = tpu.vector_load %arg9[%swap3A] {strides = array<i32>} : memref<256xf32, #tpu.memory_space<vmem>>, vector<16xf32>,
        tpu.vector_store %arg9[%swap3A], %mul3A_242 {strides = array<i32>} : memref<256xf32, #tpu.memory_space<vmem>>, vector<16xf32>,
        %scan3A_246 = arith.constant 0 : i32
        scf.yield %scan3A_246 : i32
      }
      %scan3A_133 = arith.constant 16 : i32
      %scan3A_134 = arith.constant 0 : i32
      %scan3A_135 = arith.constant 0 : i32
      %scan3A_136 = arith.constant 8 : i32
      %scan3A_137 = arith.addi %scan3A_135, %scan3A_136 : i32
      %scan3A_138 = arith.constant 1 : i32
      %scan3A_139 = scf.for %scan3A_203 = %scan3A_135 to %scan3A_137 step %scan3A_138 iter_args(%scan3A_204 = %scan3A_134) -> (i32)  : i32 {
        %mul3A_205 = arith.constant 16 : i32
        %mul3A_206 = arith.muli %scan3A_203, %mul3A_205 : i32
        %add3A_207 = arith.constant 0 : i32
        %add3A_208 = arith.addi %add3A_207, %mul3A_206 : i32
        %get3A = arith.index_cast %add3A_208 : i32 to index
        %get3A_209 = tpu.vector_load %arg4[%get3A] {strides = array<i32>} : memref<512xi32, #tpu.memory_space<vmem>>, vector<16xi32>,
        %mul3A_210 = arith.constant 16 : i32
        %mul3A_211 = arith.muli %scan3A_203, %mul3A_210 : i32
        %add3A_212 = arith.constant 128 : i32
        %add3A_213 = arith.addi %add3A_212, %mul3A_211 : i32
        %get3A_214 = arith.index_cast %add3A_213 : i32 to index
        %get3A_215 = tpu.vector_load %arg4[%get3A_214] {strides = array<i32>} : memref<512xi32, #tpu.memory_space<vmem>>, vector<16xi32>,
        %gather3A = tpu.vector_load_idx %arg9[%get3A_209] : memref<256xf32, #tpu.memory_space<vmem>>[vector<16xi32>], vector<16xf32>,
        %gather3A_216 = tpu.vector_load_idx %arg9[%get3A_215] : memref<256xf32, #tpu.memory_space<vmem>>[vector<16xi32>], vector<16xf32>,
        %mul3A_217 = arith.mulf %gather3A, %gather3A_216 : vector<16xf32>
        %mul3A_218 = arith.constant 16 : i32
        %mul3A_219 = arith.muli %scan3A_203, %mul3A_218 : i32
        %swap3A = arith.constant 0 : i32
        %swap3A_220 = arith.index_cast %swap3A : i32 to index
        %swap3A_221 = arith.index_cast %mul3A_219 : i32 to index
        %swap3A_222 = tpu.vector_load %arg10[%swap3A_220, %swap3A_221] {strides = array<i32>} : memref<3x128xf32, #tpu.memory_space<vmem>>, vector<16xf32>,
        tpu.vector_store %arg10[%swap3A_220, %swap3A_221], %mul3A_217 {strides = array<i32>} : memref<3x128xf32, #tpu.memory_space<vmem>>, vector<16xf32>,
        %mul3A_223 = arith.constant 128 : i32
        %mul3A_224 = vector.broadcast %mul3A_223 : i32 to vector<16xi32>
        %mul3A_225 = arith.muli %get3A_209, %mul3A_224 : vector<16xi32>
        %add3A_226 = arith.addi %mul3A_225, %get3A_215 : vector<16xi32>
        %ge3A = arith.constant 128 : i32
        %ge3A_227 = vector.broadcast %ge3A : i32 to vector<16xi32>
        %ge3A_228 = arith.cmpi sge, %get3A_215, %ge3A_227 : vector<16xi32>
        %jit3A = arith.constant 31616 : i32
        %jit3A_229 = arith.constant 0 : i32
        %broadcast_in_dim3A = vector.broadcast %jit3A : i32 to vector<16xi32>
        %broadcast_in_dim3A_230 = vector.broadcast %jit3A_229 : i32 to vector<16xi32>
        %select_n3A = arith.select %ge3A_228, %broadcast_in_dim3A, %broadcast_in_dim3A_230 : vector<16xi1>, vector<16xi32>
        %add3A_231 = arith.addi %add3A_226, %select_n3A : vector<16xi32>
        %mul3A_232 = arith.constant 16 : i32
        %mul3A_233 = arith.muli %scan3A_203, %mul3A_232 : i32
        %swap3A_234 = arith.constant 0 : i32
        %swap3A_235 = arith.index_cast %swap3A_234 : i32 to index
        %swap3A_236 = arith.index_cast %mul3A_233 : i32 to index
        %swap3A_237 = tpu.vector_load %arg11[%swap3A_235, %swap3A_236] {strides = array<i32>} : memref<3x128xi32, #tpu.memory_space<vmem>>, vector<16xi32>,
        tpu.vector_store %arg11[%swap3A_235, %swap3A_236], %add3A_231 {strides = array<i32>} : memref<3x128xi32, #tpu.memory_space<vmem>>, vector<16xi32>,
        %scan3A_238 = arith.constant 0 : i32
        scf.yield %scan3A_238 : i32
      }
      %scan3A_140 = arith.constant 8 : i32
      %scan3A_141 = arith.constant 0 : i32
      %scan3A_142 = arith.constant 0 : i32
      %scan3A_143 = arith.constant 8 : i32
      %scan3A_144 = arith.addi %scan3A_142, %scan3A_143 : i32
      %scan3A_145 = arith.constant 1 : i32
      %scan3A_146 = scf.for %scan3A_203 = %scan3A_142 to %scan3A_144 step %scan3A_145 iter_args(%scan3A_204 = %scan3A_141) -> (i32)  : i32 {
        %mul3A_205 = arith.constant 16 : i32
        %mul3A_206 = arith.muli %scan3A_203, %mul3A_205 : i32
        %add3A_207 = arith.constant 256 : i32
        %add3A_208 = arith.addi %add3A_207, %mul3A_206 : i32
        %get3A = arith.index_cast %add3A_208 : i32 to index
        %get3A_209 = tpu.vector_load %arg4[%get3A] {strides = array<i32>} : memref<512xi32, #tpu.memory_space<vmem>>, vector<16xi32>,
        %mul3A_210 = arith.constant 16 : i32
        %mul3A_211 = arith.muli %scan3A_203, %mul3A_210 : i32
        %add3A_212 = arith.constant 384 : i32
        %add3A_213 = arith.addi %add3A_212, %mul3A_211 : i32
        %get3A_214 = arith.index_cast %add3A_213 : i32 to index
        %get3A_215 = tpu.vector_load %arg4[%get3A_214] {strides = array<i32>} : memref<512xi32, #tpu.memory_space<vmem>>, vector<16xi32>,
        %gather3A = tpu.vector_load_idx %arg9[%get3A_209] : memref<256xf32, #tpu.memory_space<vmem>>[vector<16xi32>], vector<16xf32>,
        %gather3A_216 = tpu.vector_load_idx %arg9[%get3A_215] : memref<256xf32, #tpu.memory_space<vmem>>[vector<16xi32>], vector<16xf32>,
        %mul3A_217 = arith.mulf %gather3A, %gather3A_216 : vector<16xf32>
        %mul3A_218 = arith.constant 16 : i32
        %mul3A_219 = arith.muli %scan3A_203, %mul3A_218 : i32
        %swap3A = arith.constant 1 : i32
        %swap3A_220 = arith.index_cast %swap3A : i32 to index
        %swap3A_221 = arith.index_cast %mul3A_219 : i32 to index
        %swap3A_222 = tpu.vector_load %arg10[%swap3A_220, %swap3A_221] {strides = array<i32>} : memref<3x128xf32, #tpu.memory_space<vmem>>, vector<16xf32>,
        tpu.vector_store %arg10[%swap3A_220, %swap3A_221], %mul3A_217 {strides = array<i32>} : memref<3x128xf32, #tpu.memory_space<vmem>>, vector<16xf32>,
        %mul3A_223 = arith.constant 128 : i32
        %mul3A_224 = vector.broadcast %mul3A_223 : i32 to vector<16xi32>
        %mul3A_225 = arith.muli %get3A_209, %mul3A_224 : vector<16xi32>
        %add3A_226 = arith.addi %mul3A_225, %get3A_215 : vector<16xi32>
        %ge3A = arith.constant 128 : i32
        %ge3A_227 = vector.broadcast %ge3A : i32 to vector<16xi32>
        %ge3A_228 = arith.cmpi sge, %get3A_215, %ge3A_227 : vector<16xi32>
        %jit3A = arith.constant 31616 : i32
        %jit3A_229 = arith.constant 0 : i32
        %broadcast_in_dim3A = vector.broadcast %jit3A : i32 to vector<16xi32>
        %broadcast_in_dim3A_230 = vector.broadcast %jit3A_229 : i32 to vector<16xi32>
        %select_n3A = arith.select %ge3A_228, %broadcast_in_dim3A, %broadcast_in_dim3A_230 : vector<16xi1>, vector<16xi32>
        %add3A_231 = arith.addi %add3A_226, %select_n3A : vector<16xi32>
        %mul3A_232 = arith.constant 16 : i32
        %mul3A_233 = arith.muli %scan3A_203, %mul3A_232 : i32
        %swap3A_234 = arith.constant 1 : i32
        %swap3A_235 = arith.index_cast %swap3A_234 : i32 to index
        %swap3A_236 = arith.index_cast %mul3A_233 : i32 to index
        %swap3A_237 = tpu.vector_load %arg11[%swap3A_235, %swap3A_236] {strides = array<i32>} : memref<3x128xi32, #tpu.memory_space<vmem>>, vector<16xi32>,
        tpu.vector_store %arg11[%swap3A_235, %swap3A_236], %add3A_231 {strides = array<i32>} : memref<3x128xi32, #tpu.memory_space<vmem>>, vector<16xi32>,
        %scan3A_238 = arith.constant 0 : i32
        scf.yield %scan3A_238 : i32
      }
      %scan3A_147 = arith.constant 8 : i32
      %lt3A = arith.constant 2 : i32
      %lt3A_148 = arith.cmpi slt, %arg1, %lt3A : i32
      %convert_element_type3A_149 = arith.extui %lt3A_148 : i1 to i32
      %cond3A_150 = arith.constant 0 : i32
      %cond3A_151 = arith.cmpi ne, %convert_element_type3A_149, %cond3A_150 : i32
      scf.if %cond3A_151 {
        %scan3A_203 = arith.constant 0 : i32
        %scan3A_204 = arith.constant 0 : i32
        %scan3A_205 = arith.constant 8 : i32
        %scan3A_206 = arith.addi %scan3A_204, %scan3A_205 : i32
        %scan3A_207 = arith.constant 1 : i32
        %scan3A_208 = scf.for %scan3A_210 = %scan3A_204 to %scan3A_206 step %scan3A_207 iter_args(%scan3A_211 = %scan3A_203) -> (i32)  : i32 {
          %iota3A = tpu.iota {dimensions = array<i32: 0>} : vector<16xi32>
          %mul3A_212 = arith.constant 128 : i32
          %mul3A_213 = arith.muli %arg1, %mul3A_212 : i32
          %add3A_214 = vector.broadcast %mul3A_213 : i32 to vector<16xi32>
          %add3A_215 = arith.addi %iota3A, %add3A_214 : vector<16xi32>
          %mul3A_216 = arith.constant 16 : i32
          %mul3A_217 = arith.muli %scan3A_210, %mul3A_216 : i32
          %add3A_218 = vector.broadcast %mul3A_217 : i32 to vector<16xi32>
          %add3A_219 = arith.addi %add3A_215, %add3A_218 : vector<16xi32>
          %lt3A_220 = arith.constant 248 : i32
          %lt3A_221 = vector.broadcast %lt3A_220 : i32 to vector<16xi32>
          %lt3A_222 = arith.cmpi slt, %add3A_219, %lt3A_221 : vector<16xi32>
          %mul3A_223 = arith.constant 128 : i32
          %mul3A_224 = arith.muli %arg1, %mul3A_223 : i32
          %mul3A_225 = arith.constant 16 : i32
          %mul3A_226 = arith.muli %scan3A_210, %mul3A_225 : i32
          %add3A_227 = arith.addi %mul3A_224, %mul3A_226 : i32
          %get3A = arith.index_cast %add3A_227 : i32 to index
          %get3A_228 = tpu.vector_load %arg9[%get3A] {strides = array<i32>} : memref<256xf32, #tpu.memory_space<vmem>>, vector<16xf32>,
          %mul3A_229 = arith.constant 129 : i32
          %mul3A_230 = vector.broadcast %mul3A_229 : i32 to vector<16xi32>
          %mul3A_231 = arith.muli %add3A_219, %mul3A_230 : vector<16xi32>
          %ge3A = arith.constant 128 : i32
          %ge3A_232 = vector.broadcast %ge3A : i32 to vector<16xi32>
          %ge3A_233 = arith.cmpi sge, %add3A_219, %ge3A_232 : vector<16xi32>
          %jit3A = arith.constant 31616 : i32
          %jit3A_234 = arith.constant 0 : i32
          %broadcast_in_dim3A = vector.broadcast %jit3A : i32 to vector<16xi32>
          %broadcast_in_dim3A_235 = vector.broadcast %jit3A_234 : i32 to vector<16xi32>
          %select_n3A = arith.select %ge3A_233, %broadcast_in_dim3A, %broadcast_in_dim3A_235 : vector<16xi1>, vector<16xi32>
          %add3A_236 = arith.addi %mul3A_231, %select_n3A : vector<16xi32>
          %mul3A_237 = arith.mulf %get3A_228, %get3A_228 : vector<16xf32>
          %jit3A_238 = arith.constant 0.000000e+00 : f32
          %broadcast_in_dim3A_239 = vector.broadcast %jit3A_238 : f32 to vector<16xf32>
          %select_n3A_240 = arith.select %lt3A_222, %mul3A_237, %broadcast_in_dim3A_239 : vector<16xi1>, vector<16xf32>
          %mul3A_241 = arith.constant 16 : i32
          %mul3A_242 = arith.muli %scan3A_210, %mul3A_241 : i32
          %swap3A = arith.constant 2 : i32
          %swap3A_243 = arith.index_cast %swap3A : i32 to index
          %swap3A_244 = arith.index_cast %mul3A_242 : i32 to index
          %swap3A_245 = tpu.vector_load %arg10[%swap3A_243, %swap3A_244] {strides = array<i32>} : memref<3x128xf32, #tpu.memory_space<vmem>>, vector<16xf32>,
          tpu.vector_store %arg10[%swap3A_243, %swap3A_244], %select_n3A_240 {strides = array<i32>} : memref<3x128xf32, #tpu.memory_space<vmem>>, vector<16xf32>,
          %jit3A_246 = arith.constant 63487 : i32
          %broadcast_in_dim3A_247 = vector.broadcast %jit3A_246 : i32 to vector<16xi32>
          %select_n3A_248 = arith.select %lt3A_222, %add3A_236, %broadcast_in_dim3A_247 : vector<16xi1>, vector<16xi32>
          %mul3A_249 = arith.constant 16 : i32
          %mul3A_250 = arith.muli %scan3A_210, %mul3A_249 : i32
          %swap3A_251 = arith.constant 2 : i32
          %swap3A_252 = arith.index_cast %swap3A_251 : i32 to index
          %swap3A_253 = arith.index_cast %mul3A_250 : i32 to index
          %swap3A_254 = tpu.vector_load %arg11[%swap3A_252, %swap3A_253] {strides = array<i32>} : memref<3x128xi32, #tpu.memory_space<vmem>>, vector<16xi32>,
          tpu.vector_store %arg11[%swap3A_252, %swap3A_253], %select_n3A_248 {strides = array<i32>} : memref<3x128xi32, #tpu.memory_space<vmem>>, vector<16xi32>,
          %scan3A_255 = arith.constant 0 : i32
          scf.yield %scan3A_255 : i32
        }
        %scan3A_209 = arith.constant 8 : i32
      } else {
      }
      %dma_start3A_152 = arith.constant 0 : i32
      %dma_start3A_153 = arith.constant 0 : i32
      %dma_start3A_154 = arith.constant 0 : i32
      %dma_start3A_155 = tpu.memref_slice %arg10[%dma_start3A_152, %dma_start3A_154] : memref<3x128xf32, #tpu.memory_space<vmem>> -> memref<1x128xf32, #tpu.memory_space<vmem>>
      %dma_start3A_156 = tpu.memref_squeeze %dma_start3A_155 : memref<1x128xf32, #tpu.memory_space<vmem>> -> memref<128xf32, #tpu.memory_space<vmem>>
      %dma_start3A_157 = arith.constant 0 : i32
      %dma_start3A_158 = tpu.memref_slice %arg11[%dma_start3A_153, %dma_start3A_157] : memref<3x128xi32, #tpu.memory_space<vmem>> -> memref<1x128xi32, #tpu.memory_space<vmem>>
      %dma_start3A_159 = tpu.memref_squeeze %dma_start3A_158 : memref<1x128xi32, #tpu.memory_space<vmem>> -> memref<128xi32, #tpu.memory_space<vmem>>
      %dma_start3A_160 = arith.constant 0 : i32
      %dma_start3A_161 = tpu.memref_slice %arg12[%dma_start3A_160] : memref<63488xf32, #tpu.memory_space<vmem_shared>> -> memref<63488xf32, #tpu.memory_space<vmem_shared>>
      tpu.enqueue_indirect_dma source(%dma_start3A_156 : memref<128xf32, #tpu.memory_space<vmem>>) target(%dma_start3A_161 : memref<63488xf32, #tpu.memory_space<vmem_shared>>) offsets(%dma_start3A_159 : memref<128xi32, #tpu.memory_space<vmem>>) semaphore(%arg14 : memref<!tpu.dma_semaphore, #tpu.memory_space<semaphore_mem>>) {add = true}
      %dma_start3A_162 = arith.constant 1 : i32
      %dma_start3A_163 = arith.constant 1 : i32
      %dma_start3A_164 = arith.constant 0 : i32
      %dma_start3A_165 = tpu.memref_slice %arg10[%dma_start3A_162, %dma_start3A_164] : memref<3x128xf32, #tpu.memory_space<vmem>> -> memref<1x128xf32, #tpu.memory_space<vmem>>
      %dma_start3A_166 = tpu.memref_squeeze %dma_start3A_165 : memref<1x128xf32, #tpu.memory_space<vmem>> -> memref<128xf32, #tpu.memory_space<vmem>>
      %dma_start3A_167 = arith.constant 0 : i32
      %dma_start3A_168 = tpu.memref_slice %arg11[%dma_start3A_163, %dma_start3A_167] : memref<3x128xi32, #tpu.memory_space<vmem>> -> memref<1x128xi32, #tpu.memory_space<vmem>>
      %dma_start3A_169 = tpu.memref_squeeze %dma_start3A_168 : memref<1x128xi32, #tpu.memory_space<vmem>> -> memref<128xi32, #tpu.memory_space<vmem>>
      %dma_start3A_170 = arith.constant 0 : i32
      %dma_start3A_171 = tpu.memref_slice %arg12[%dma_start3A_170] : memref<63488xf32, #tpu.memory_space<vmem_shared>> -> memref<63488xf32, #tpu.memory_space<vmem_shared>>
      tpu.enqueue_indirect_dma source(%dma_start3A_166 : memref<128xf32, #tpu.memory_space<vmem>>) target(%dma_start3A_171 : memref<63488xf32, #tpu.memory_space<vmem_shared>>) offsets(%dma_start3A_169 : memref<128xi32, #tpu.memory_space<vmem>>) semaphore(%arg14 : memref<!tpu.dma_semaphore, #tpu.memory_space<semaphore_mem>>) {add = true}
      %lt3A_172 = arith.constant 2 : i32
      %lt3A_173 = arith.cmpi slt, %arg1, %lt3A_172 : i32
      %convert_element_type3A_174 = arith.extui %lt3A_173 : i1 to i32
      %cond3A_175 = arith.constant 0 : i32
      %cond3A_176 = arith.cmpi ne, %convert_element_type3A_174, %cond3A_175 : i32
      scf.if %cond3A_176 {
        %run_scoped3A = arith.constant 2 : i32
        %run_scoped3A_203 = arith.constant 2 : i32
        "tpu.region"() ({
          %run_scoped3A_204 = tpu.sem_alloc : memref<!tpu.dma_semaphore, #tpu.memory_space<semaphore_mem>>
          %dma_start3A_205 = arith.constant 0 : i32
          %dma_start3A_206 = tpu.memref_slice %arg10[%run_scoped3A, %dma_start3A_205] : memref<3x128xf32, #tpu.memory_space<vmem>> -> memref<1x128xf32, #tpu.memory_space<vmem>>
          %dma_start3A_207 = tpu.memref_squeeze %dma_start3A_206 : memref<1x128xf32, #tpu.memory_space<vmem>> -> memref<128xf32, #tpu.memory_space<vmem>>
          %dma_start3A_208 = arith.constant 0 : i32
          %dma_start3A_209 = tpu.memref_slice %arg11[%run_scoped3A_203, %dma_start3A_208] : memref<3x128xi32, #tpu.memory_space<vmem>> -> memref<1x128xi32, #tpu.memory_space<vmem>>
          %dma_start3A_210 = tpu.memref_squeeze %dma_start3A_209 : memref<1x128xi32, #tpu.memory_space<vmem>> -> memref<128xi32, #tpu.memory_space<vmem>>
          %dma_start3A_211 = arith.constant 0 : i32
          %dma_start3A_212 = tpu.memref_slice %arg12[%dma_start3A_211] : memref<63488xf32, #tpu.memory_space<vmem_shared>> -> memref<63488xf32, #tpu.memory_space<vmem_shared>>
          tpu.enqueue_indirect_dma source(%dma_start3A_207 : memref<128xf32, #tpu.memory_space<vmem>>) target(%dma_start3A_212 : memref<63488xf32, #tpu.memory_space<vmem_shared>>) offsets(%dma_start3A_210 : memref<128xi32, #tpu.memory_space<vmem>>) semaphore(%run_scoped3A_204 : memref<!tpu.dma_semaphore, #tpu.memory_space<semaphore_mem>>) {add = true}
          %dma_wait3A_213 = arith.constant 0 : i32
          %dma_wait3A_214 = tpu.memref_slice %arg10[%run_scoped3A, %dma_wait3A_213] : memref<3x128xf32, #tpu.memory_space<vmem>> -> memref<1x128xf32, #tpu.memory_space<vmem>>
          %dma_wait3A_215 = tpu.memref_squeeze %dma_wait3A_214 : memref<1x128xf32, #tpu.memory_space<vmem>> -> memref<128xf32, #tpu.memory_space<vmem>>
          %dma_wait3A_216 = arith.constant 0 : i32
          %dma_wait3A_217 = tpu.memref_slice %arg11[%run_scoped3A_203, %dma_wait3A_216] : memref<3x128xi32, #tpu.memory_space<vmem>> -> memref<1x128xi32, #tpu.memory_space<vmem>>
          %dma_wait3A_218 = tpu.memref_squeeze %dma_wait3A_217 : memref<1x128xi32, #tpu.memory_space<vmem>> -> memref<128xi32, #tpu.memory_space<vmem>>
          %dma_wait3A_219 = arith.constant 0 : i32
          %dma_wait3A_220 = tpu.memref_slice %arg12[%dma_wait3A_219] : memref<63488xf32, #tpu.memory_space<vmem_shared>> -> memref<63488xf32, #tpu.memory_space<vmem_shared>>
          tpu.wait_indirect_dma semaphore(%run_scoped3A_204 : memref<!tpu.dma_semaphore, #tpu.memory_space<semaphore_mem>>) src(%dma_wait3A_215 : memref<128xf32, #tpu.memory_space<vmem>>) dst(%dma_wait3A_220 : memref<63488xf32, #tpu.memory_space<vmem_shared>>)
          tpu.yield
        }) : () -> ()
      } else {
      }
      %dma_wait3A_177 = arith.constant 0 : i32
      %dma_wait3A_178 = arith.constant 0 : i32
      %dma_wait3A_179 = arith.constant 0 : i32
      %dma_wait3A_180 = tpu.memref_slice %arg10[%dma_wait3A_177, %dma_wait3A_179] : memref<3x128xf32, #tpu.memory_space<vmem>> -> memref<1x128xf32, #tpu.memory_space<vmem>>
      %dma_wait3A_181 = tpu.memref_squeeze %dma_wait3A_180 : memref<1x128xf32, #tpu.memory_space<vmem>> -> memref<128xf32, #tpu.memory_space<vmem>>
      %dma_wait3A_182 = arith.constant 0 : i32
      %dma_wait3A_183 = tpu.memref_slice %arg11[%dma_wait3A_178, %dma_wait3A_182] : memref<3x128xi32, #tpu.memory_space<vmem>> -> memref<1x128xi32, #tpu.memory_space<vmem>>
      %dma_wait3A_184 = tpu.memref_squeeze %dma_wait3A_183 : memref<1x128xi32, #tpu.memory_space<vmem>> -> memref<128xi32, #tpu.memory_space<vmem>>
      %dma_wait3A_185 = arith.constant 0 : i32
      %dma_wait3A_186 = tpu.memref_slice %arg12[%dma_wait3A_185] : memref<63488xf32, #tpu.memory_space<vmem_shared>> -> memref<63488xf32, #tpu.memory_space<vmem_shared>>
      tpu.wait_indirect_dma semaphore(%arg14 : memref<!tpu.dma_semaphore, #tpu.memory_space<semaphore_mem>>) src(%dma_wait3A_181 : memref<128xf32, #tpu.memory_space<vmem>>) dst(%dma_wait3A_186 : memref<63488xf32, #tpu.memory_space<vmem_shared>>)
      %dma_wait3A_187 = arith.constant 1 : i32
      %dma_wait3A_188 = arith.constant 1 : i32
      %dma_wait3A_189 = arith.constant 0 : i32
      %dma_wait3A_190 = tpu.memref_slice %arg10[%dma_wait3A_187, %dma_wait3A_189] : memref<3x128xf32, #tpu.memory_space<vmem>> -> memref<1x128xf32, #tpu.memory_space<vmem>>
      %dma_wait3A_191 = tpu.memref_squeeze %dma_wait3A_190 : memref<1x128xf32, #tpu.memory_space<vmem>> -> memref<128xf32, #tpu.memory_space<vmem>>
      %dma_wait3A_192 = arith.constant 0 : i32
      %dma_wait3A_193 = tpu.memref_slice %arg11[%dma_wait3A_188, %dma_wait3A_192] : memref<3x128xi32, #tpu.memory_space<vmem>> -> memref<1x128xi32, #tpu.memory_space<vmem>>
      %dma_wait3A_194 = tpu.memref_squeeze %dma_wait3A_193 : memref<1x128xi32, #tpu.memory_space<vmem>> -> memref<128xi32, #tpu.memory_space<vmem>>
      %dma_wait3A_195 = arith.constant 0 : i32
      %dma_wait3A_196 = tpu.memref_slice %arg12[%dma_wait3A_195] : memref<63488xf32, #tpu.memory_space<vmem_shared>> -> memref<63488xf32, #tpu.memory_space<vmem_shared>>
      tpu.wait_indirect_dma semaphore(%arg14 : memref<!tpu.dma_semaphore, #tpu.memory_space<semaphore_mem>>) src(%dma_wait3A_191 : memref<128xf32, #tpu.memory_space<vmem>>) dst(%dma_wait3A_196 : memref<63488xf32, #tpu.memory_space<vmem_shared>>)
      %barrier3A_197 = arith.constant 0 : index
      tpu.barrier barrier_id(%barrier3A_197)
      %eq3A_198 = arith.constant 0 : i32
      %eq3A_199 = arith.cmpi eq, %arg1, %eq3A_198 : i32
      %convert_element_type3A_200 = arith.extui %eq3A_199 : i1 to i32
      %cond3A_201 = arith.constant 0 : i32
      %cond3A_202 = arith.cmpi ne, %convert_element_type3A_200, %cond3A_201 : i32
      scf.if %cond3A_202 {
        "tpu.region"() ({
          %run_scoped3A = tpu.sem_alloc : memref<!tpu.dma_semaphore, #tpu.memory_space<semaphore_mem>>
          tpu.enqueue_dma source(%arg12 : memref<63488xf32, #tpu.memory_space<vmem_shared>>) target(%arg3 : memref<63488xf32, #tpu.memory_space<hbm>>) target_semaphore(%run_scoped3A : memref<!tpu.dma_semaphore, #tpu.memory_space<semaphore_mem>>)
          tpu.wait_dma2 semaphore(%run_scoped3A : memref<!tpu.dma_semaphore, #tpu.memory_space<semaphore_mem>>) src(%arg12 : memref<63488xf32, #tpu.memory_space<vmem_shared>>) dst(%arg3 : memref<63488xf32, #tpu.memory_space<hbm>>)
          tpu.yield
        }) : () -> ()
      } else {
      }
    } else {
    }
    return
  }
}

</mosaic_0001>

<sc_bundles>
// kernel: _build_operator.3.cloned.1.call-start
scs
__scs_entry_jumppad:
0x0: {  	(pc) =	sbr.rel $0x88, $3  }
0x1: {  	(tag) =	ssettag $0x0;
	lr =	simm.s32 $0x1  }
0x2: {  	[smem:$0x3FA0] =	sst lr;
	_ =	strace $0xD0000000  }
0x3: {  	_ = 	snop  }
0x4: {  	_ = 	snop  }
0x5: {  	_ = 	snop  }
0x6: {  	_ = 	snop  }
0x7: {  	_ = 	snop  }
__scs_overlays_trampoline_lowered:
0x8: {  	[smem:$0x3FAF] =	sst s0  }
0x9: {  	[smem:$0x3FB0] =	sst s1  }
0xa: {  	[smem:$0x3FB1] =	sst s2  }
0xb: {  	[smem:$0x3FB2] =	sst s3  }
0xc: {  	[smem:$0x3FB3] =	sst s4  }
0xd: {  	[smem:$0x3FB4] =	sst s5  }
0xe: {  	[smem:$0x3FB5] =	sst s6  }
0xf: {  	[smem:$0x3FB6] =	sst s7  }
0x10: {  	[smem:$0x3FB7] =	sst s8  }
0x11: {  	[smem:$0x3FB8] =	sst s9;
	s0 =	simm.s32 @!p0 $0x0  }
0x12: {  	s1 =	sld [smem:$0x3F9E];
	s0 =	simm.s32 @p0 $0x1  }
0x13: {  	[smem:$0x3FB9] =	sst s0;
	s0 =	simm.s32 @!p1 $0x0  }
0x14: {  	s2 =	sld [smem:$0x3F9D];
	s0 =	simm.s32 @p1 $0x1  }
0x15: {  	[smem:$0x3FBA] =	sst s0;
	s0 =	simm.s32 @!p2 $0x0  }
0x16: {  	s3 =	sld [smem:$0x3FDB];
	s0 =	simm.s32 @p2 $0x1  }
0x17: {  	s4 =	simm.s32 $0x1BF5;
	[smem:$0x3FBC] =	sst s0  }
0x18: {  	s0 =	sld [smem:$0x3F9F];
	_ =	swait.ge [sflag:s4], $0x0  }
0x19: {  	s7 =	sld [smem:$0x3FA0]  }
0x1a: {  	s8 =	sadd.s32 $0xFFFFE003, lr  }
0x1b: {  	s9 =	sadd.s32 $0xFFFFFEF7, lr;
	s5 =	simm.s32 $0xFFFFFFFF;
	p2 =	slt.u32 s8, $0xFFFFF086  }
0x1c: {  	p1 =	slt.u32 s9, $0xF7A;
	s5 =	simm.s32 @!p2 $0x0  }
0x1d: {  	s5 =	simm.s32 @p1 $0x1;
	p0 =	seq.s32 s7, s2  }
0x1e: {  	s7 =	smul.u32 @!p0 $0xF7A, s2;
	p2 =	seq.s32 @!p0 s5, $0x0  }
0x1f: {  	s9 =	smul.u32 $0xF7A, s1;
	s8 =	simm.s32 @!p0 $0x1BF5;
	p2 =	por !p2, p0  }
0x20: {  	[sflag:s8] =	ssyncset.s32 @!p0 $0xFFFFF086;
	s6 =	sadd.s32 @!p0 s3, s7;
	s7 =	simm.s32 @!p0 $0x108  }
0x21: {  	s3 =	sadd.s32 s3, s9;
	s6 =	sadd.s32 @!p0 $0x88, s6;
	s7 =	simm.s32 @p2 $0x1082  }
0x22: {  	[simem:s7], [sflag:s8] =	dma.local @!p0 [hbm:s6], $0xF7A  }
0x23: {  	s9 =	sor.u32 $0xD0000000, s2;
	s6 =	simm.s32 $0x108;
	_ =	swait.ge @!p0 [sflag:s8], $0x0  }
0x24: {  	s3 =	sadd.s32 $0x88, s3;
	s6 =	simm.s32 @!p1 $0x1082;
	[sflag:s4] =	ssyncset.s32 $0xFFFFF086  }
0x25: {  	[simem:s6], [sflag:s4] =	dma.local [hbm:s3], $0xF7A  }
0x26: {  	[smem:$0x3FA0] =	sst s1;
	(tag) =	ssettag s2;
	_ =	strace s9  }
0x27: {  	s1 =	sld [smem:$0x3FB0]  }
0x28: {  	s2 =	sld [smem:$0x3FB1]  }
0x29: {  	s4 =	sld [smem:$0x3FB3]  }
0x2a: {  	p0 =	seq.s32 s5, $0x0;
	s5 =	sld [smem:$0x3FB4]  }
0x2b: {  	s6 =	sld [smem:$0x3FB5]  }
0x2c: {  	s7 =	sld [smem:$0x3FB6]  }
0x2d: {  	s3 =	simm.s32 $0x108;
	s8 =	sld [smem:$0x3FB7]  }
0x2e: {  	s3 =	simm.s32 @!p0 $0x1082;
	s9 =	sld [smem:$0x3FB8]  }
0x2f: {  	lr =	sadd.s32 s0, s3;
	s0 =	sld [smem:$0x3FAF]  }
0x30: {  	s3 =	sld [smem:$0x3FB2]  }
0x31: {  	[smem:$0x3FBB] =	sst s10  }
0x32: {  	s10 =	sld [smem:$0x3FB9];
	_ =	sdelay $0x3  }
0x33: {  	p0 =	seq.s32 s10, $0x1;
	s10 =	sld [smem:$0x3FBB];
	_ =	sdelay $0x3  }
0x34: {  	[smem:$0x3FBB] =	sst s10  }
0x35: {  	s10 =	sld [smem:$0x3FBA];
	_ =	sdelay $0x3  }
0x36: {  	p1 =	seq.s32 s10, $0x1;
	s10 =	sld [smem:$0x3FBB];
	_ =	sdelay $0x3  }
0x37: {  	[smem:$0x3FBB] =	sst s10  }
0x38: {  	s10 =	sld [smem:$0x3FBC]  }
0x39: {  	_ = 	snop;
	(pc) =	sbr.ind lr, $3  }
0x3a: {  	_ = 	snop  }
0x3b: {  	_ = 	snop  }
0x3c: {  	p2 =	seq.s32 s10, $0x1;
	s10 =	sld [smem:$0x3FBB]  }
0x3d: {  	_ =	shalt  }
0x3e: {  	_ =	shalt  }
0x3f: {  	_ =	shalt  }
0x40: {  	_ =	shalt  }
0x41: {  	_ =	shalt  }
0x42: {  	_ =	shalt  }
0x43: {  	_ =	shalt  }
0x44: {  	_ =	shalt  }
0x45: {  	_ =	shalt  }
0x46: {  	_ =	shalt  }
0x47: {  	_ =	shalt  }
0x48: {  	_ =	shalt  }
0x49: {  	_ =	shalt  }
0x4a: {  	_ =	shalt  }
0x4b: {  	_ =	shalt  }
0x4c: {  	_ =	shalt  }
0x4d: {  	_ =	shalt  }
0x4e: {  	_ =	shalt  }
0x4f: {  	_ =	shalt  }
0x50: {  	_ =	shalt  }
0x51: {  	_ =	shalt  }
0x52: {  	_ =	shalt  }
0x53: {  	_ =	shalt  }
0x54: {  	_ =	shalt  }
0x55: {  	_ =	shalt  }
0x56: {  	_ =	shalt  }
0x57: {  	_ =	shalt  }
0x58: {  	_ =	shalt  }
0x59: {  	_ =	shalt  }
0x5a: {  	_ =	shalt  }
0x5b: {  	_ =	shalt  }
0x5c: {  	_ =	shalt  }
0x5d: {  	_ =	shalt  }
0x5e: {  	_ =	shalt  }
0x5f: {  	_ =	shalt  }
0x60: {  	_ =	shalt  }
0x61: {  	_ =	shalt  }
0x62: {  	_ =	shalt  }
0x63: {  	_ =	shalt  }
0x64: {  	_ =	shalt  }
0x65: {  	_ =	shalt  }
0x66: {  	_ =	shalt  }
0x67: {  	_ =	shalt  }
0x68: {  	_ =	shalt  }
0x69: {  	_ =	shalt  }
0x6a: {  	_ =	shalt  }
0x6b: {  	_ =	shalt  }
0x6c: {  	_ =	shalt  }
0x6d: {  	_ =	shalt  }
0x6e: {  	_ =	shalt  }
0x6f: {  	_ =	shalt  }
0x70: {  	_ =	shalt  }
0x71: {  	_ =	shalt  }
0x72: {  	_ =	shalt  }
0x73: {  	_ =	shalt  }
0x74: {  	_ =	shalt  }
0x75: {  	_ =	shalt  }
0x76: {  	_ =	shalt  }
0x77: {  	_ =	shalt  }
0x78: {  	_ =	shalt  }
0x79: {  	_ =	shalt  }
0x7a: {  	_ =	shalt  }
0x7b: {  	_ =	shalt  }
0x7c: {  	_ =	shalt  }
0x7d: {  	_ =	shalt  }
0x7e: {  	_ =	shalt  }
0x7f: {  	_ =	shalt  }
0x80: {  	_ =	shalt  }
0x81: {  	_ =	shalt  }
0x82: {  	_ =	shalt  }
0x83: {  	_ =	shalt  }
0x84: {  	_ =	shalt  }
0x85: {  	_ =	shalt  }
0x86: {  	_ =	shalt  }
0x87: {  	_ =	shalt  }
.Lfunc_end0:
.L_simem_size_0:
called_computation_lowered:
.L_overlay_start_0:
0x88: {  	s2 =	sld [smem:$0x3FD9]  }
0x89: {  	s3 =	sld [smem:$0x3FFE];
	_ =	sdelay $0x1  }
0x8a: {  	s1 =	srdreg.scid  }
0x8b: {  	s0 =	sand.u32 $0x1, s1  }
0x8c: {  	s18 =	sshll.u32 s0, $0xA;
	s2 =	sadd.s32 s3, s2  }
0x8d: {  	s2 =	sadd.s32 s2, s18  }
0x8e: {  	[smem:$0x3FC7] =	sst s2  }
0x8f: {  	_ = 	snop  }
0x90: {  	s2 =	sld [smem:$0x3FC9]  }
0x91: {  	s19 =	sld [smem:$0x3FD0];
	(tm) =	ssettm $0x1  }
0x92: {  	s4 =	sld [smem:$0x3FFB];
	_ =	sdelay $0x3  }
0x93: {  	_ =	strace s4  }
0x94: {  	s4 =	sld [smem:$0x3FFC];
	_ =	sdelay $0x3  }
0x95: {  	_ =	strace s4  }
0x96: {  	s4 =	sld [smem:$0x3FFD];
	_ =	sdelay $0x3  }
0x97: {  	_ =	strace s4  }
0x98: {  	_ =	strace $0x8FFFFFFF  }
0x99: {  	s20 =	sld [smem:$0x3FDB];
	_ =	sdelay $0x1  }
0x9a: {  	s5 =	simm.s32 $_scs_section_size  }
0x9b: {  	s6 =	simm.s32 $_size__tile_overlayer_lowered;
	s7 =	simm.s32 $_tile_overlayer_lowered  }
0x9c: {  	s23 =	simm.s32 $0x1BFF;
	s22 =	sshll.u32 s7, $0x1;
	s4 =	sadd.s32 s5, s20  }
0x9d: {  	s8 =	simm.s32 $0x0;
	s21 =	sshll.u32 s6, $0x1;
	s6 =	sadd.s32 s22, s4  }
0x9e: {  	[timem:s8], [sflag:s23] =	dma.local [hbm:s6], s21  }
0x9f: {  	_ =	swait.ge [sflag:s23], s21  }
0xa0: {  	s5 =	ssub.s32 $0x0, s21;
	[sflag:s23] =	ssyncset.done $0x0  }
0xa1: {  	[sflag:s23] =	ssyncadd.s32 s5;
	_ =	sdelay $0x1  }
0xa2: {  	s24 =	simm.s32 $0x1B8B  }
0xa3: {  	_ =	swait.ge [sflag:s24], $0x1  }
0xa4: {  	[sflag:s24] =	ssyncset.done $0x0  }
0xa5: {  	s25 =	simm.s32 $0x1B8E;
	[sflag:s24] =	ssyncadd.s32 $0xFFFFFFFF  }
0xa6: {  	s26 =	simm.s32 $execute0_lowered;
	[smem:$0x3FD2] =	sst s25  }
0xa7: {  	s5 =	sshll.u32 s26, $0x1;
	_ =	strace $0x80000046;
	[dreg:$0x1] =	wrdreg $0xFFFFFFFF  }
0xa8: {  	s28 =	simm.s32 $_size_execute0_lowered;
	s4 =	sadd.s32 s4, s5;
	[dreg:$0x0] =	wrdreg $0x0  }
0xa9: {  	s5 =	sshll.u32 s28, $0x1;
	[dreg:$0x2] =	wrdreg s4  }
0xaa: {  	[dreg:$0x3] =	wrdreg s5  }
0xab: {  	[dreg:$0x4] =	wrdreg $0xC0  }
0xac: {  	_ =	task [dreg:s8], $0x5FFFF  }
0xad: {  	[dreg:$0x1] =	wrdreg $0xFFFFFFFF  }
0xae: {  	[dreg:$0x0] =	wrdreg $0x60  }
0xaf: {  	[dreg:$0x2] =	wrdreg s2  }
0xb0: {  	[dreg:$0x3] =	wrdreg s19  }
0xb1: {  	[dreg:$0x4] =	wrdreg $0x19800  }
0xb2: {  	[dreg:$0x5] =	wrdreg $0x29000  }
0xb3: {  	[dreg:$0x6] =	wrdreg $0x9  }
0xb4: {  	_ =	task.clear_ibuf [dreg:s8], $0x7FFFF;
	_ =	strace $0x90000046  }
0xb5: {  	s29 =	simm.s32 $0x9;
	_ =	strace $0x80000048  }
0xb6: {  	_ =	swait.ge [sflag:s29], $0x1  }
0xb7: {  	[sflag:s29] =	ssyncadd.s32 $0xFFFFFFFF  }
0xb8: {  	_ =	strace $0x90000048  }
0xb9: {  	_ =	sfence  }
0xba: {  	s30 =	sld [smem:$0x0];
	_ =	sdelay $0x2  }
0xbb: {  	s31 =	sshll.u32 s1, $0xD;
	s1 =	sshrl.u32 s1, $0x2  }
0xbc: {  	s3 =	sand.u32 $0x4000, s31;
	s1 =	sadd.s32 s1, s30  }
0xbd: {  	s0 =	sor.u32 s3, s0;
	s1 =	sshll.u32 s1, $0x11  }
0xbe: {  	s0 =	sor.u32 s1, s0  }
0xbf: {  	s0 =	sadd.s32 $0x8F2B, s0  }
0xc0: {  	[sflag:s0] =	ssyncadd.remote.s32 $0x1  }
0xc1: {  	_ =	sfence.sel $0xFFFF  }
0xc2: {  	[dreg:$0x0] =	wrdreg $0xFFFFFFFF;
	(pc) =	sbr.abs _section_cstart, $3  }
0xc3: {  	[dreg:$0x1] =	wrdreg $0xFFFFFFFF  }
0xc4: {  	_ =	task.clear_ibuf [dreg:s8], $0x2FFFF;
	_ =	strace $0x9FFFFFFF  }
0xc5: {  	(tm) =	ssettm $0x7FFFFFFF  }
tec
execute0_lowered:
.L_overlay_start_1:
0x0: {  	(tag) =	ssettag $0x1  }
0x1: {  	s2 =	srdreg.scid  }
0x2: {  	s2 =	sand.u32 $0x1, s2  }
0x3: {  	s5 =	rddreg [dreg:$0x0];
	p0 =	seq.s32 s2, $0x1  }
.Ltmp0:
0x4: {  	s1 =	rddreg [dreg:$0x1];
	(pc) =	sbr.rel @p0 .LBB2_11-.Ltmp0, $4  }
0x5: {  	s3 =	rddreg [dreg:$0x2]  }
0x6: {  	s6 =	rddreg [dreg:$0x3];
	s4 =	simm.s32 $0x0  }
0x7: {  	[smem:$0x7FF] =	sst s4  }
0x8: {  	s0 =	rddreg [dreg:$0x4];
	_ =	strace $0x80000047;
	s2 =	stileid.u32  }
0x9: {  	s7 =	sshll.u32 s2, $0x5  }
0xa: {  	s5 =	sadd.s32 s5, s7  }
0xb: {  	[tilespmem:s4], [sflag:$0x1] =	stream.linear.gather [hbm4b:s5+s4], $0x100, $0x38;
	[tilespmem:$0x2910] =	vst v63  }
0xc: {  	s8 =	simm.s32 $0x200;
	s7 =	sadd.s32 $0x10, s5  }
0xd: {  	[tilespmem:s8], [sflag:$0x1] =	stream.linear.gather [hbm4b:s7+s4], $0x80, $0x38;
	[tilespmem:$0x2910] =	vst v63  }
0xe: {  	s29 =	simm.s32 $0x100;
	s28 =	sadd.s32 $0x200, s5  }
0xf: {  	[tilespmem:s29], [sflag:$0x1] =	stream.linear.gather [hbm4b:s28+s4], $0x100, $0x38;
	[tilespmem:$0x2910] =	vst v63  }
0x10: {  	s30 =	simm.s32 $0x280;
	s5 =	sadd.s32 $0x210, s5  }
0x11: {  	v0 =	vimm.f32 $1.000000000e+00;
	[tilespmem:s30], [sflag:$0x1] =	stream.linear.gather [hbm4b:s5+s4], $0x80, $0x38;
	[tilespmem:$0x2910] =	vst v63  }
0x12: {  	[tilespmem:$0x300] =	vst v0  }
0x13: {  	[tilespmem:$0x310] =	vst v0  }
0x14: {  	[tilespmem:$0x320] =	vst v0  }
0x15: {  	[tilespmem:$0x330] =	vst v0  }
0x16: {  	[tilespmem:$0x340] =	vst v0  }
0x17: {  	[tilespmem:$0x350] =	vst v0  }
0x18: {  	[tilespmem:$0x360] =	vst v0  }
0x19: {  	[tilespmem:$0x370] =	vst v0  }
0x1a: {  	[tilespmem:$0x380] =	vst v0  }
0x1b: {  	[tilespmem:$0x390] =	vst v0  }
0x1c: {  	[tilespmem:$0x3A0] =	vst v0  }
0x1d: {  	s31 =	smul.u32 $0x3E00, s2;
	[tilespmem:$0x3B0] =	vst v0  }
0x1e: {  	[tilespmem:$0x3C0] =	vst v0  }
0x1f: {  	s4 =	sshrl.u32 s31, $0x2;
	[tilespmem:$0x3D0] =	vst v0  }
0x20: {  	s7 =	sadd.s32 s4, s3;
	s4 =	sshll.u32 s2, $0x7;
	[tilespmem:$0x3E0] =	vst v0  }
0x21: {  	s9 =	simm.s32 $0x0;
	s8 =	simm.s32 $0x40;
	[tilespmem:$0x3F0] =	vst v0;
	v0 =	vimm.f32 $0.0e+00;
	s5 =	sadd.s32 $0x1480, s4  }
.LBB2_2:
0x22: {  	p0 =	sne.s32 s8, $0x3DC0;
	[tilespmem:s9+$0x400] =	vst v0;
	s9 =	smov.u32 s8;
	s8 =	sadd.s32 $0x40, s8  }
.Ltmp1:
0x23: {  	(pc) =	sbr.rel @p0 .LBB2_2-.Ltmp1, $2  }
0x24: {  	_ =	sdelay $0x2  }
0x25: {  	s9 =	sshra.s32 s9, $0x2  }
0x26: {  	[tilespmem:s9+$0x400] =	vst v0;
	s8 =	simm.s32 $0x400;
	s25 =	simm.s32 $0x2  }
0x27: {  	[spmem:s7] =	stream.linear.scatter [tilespmem:s8], [sflag:$0x2], $0xF80, $0x38;
	[tilespmem:$0x2910] =	vst v63  }
0x28: {  	_ =	swait.ge [sflag:s25], $0xF80  }
0x29: {  	p0 =	sne.s32 s2, $0x0;
	[sflag:s25] =	ssyncset.done $0x0  }
0x2a: {  	s8 =	simm.s32 @!p0 $0x400;
	[sflag:s25] =	ssyncadd.s32 $0xFFFFF080  }
0x2b: {  	[spmem:s6] =	stream.linear.scatter @!p0 [tilespmem:s8], [sflag:$0x2], $0x100, $0x38;
	[tilespmem:$0x2910] =	vst v63  }
0x2c: {  	s8 =	simm.s32 @!p0 $0x2  }
0x2d: {  	_ =	swait.ge @!p0 [sflag:s8], $0x100  }
0x2e: {  	[sflag:s8] =	ssyncset.done @!p0 $0x0  }
0x2f: {  	s26 =	simm.s32 $0x1;
	[sflag:s8] =	ssyncadd.s32 @!p0 $0xFFFFFF00  }
0x30: {  	_ =	swait.ge [sflag:s26], $0x100  }
0x31: {  	[sflag:s26] =	ssyncset.done $0x0  }
0x32: {  	[sflag:s26] =	ssyncadd.s32 $0xFFFFFF00  }
0x33: {  	_ =	swait.ge [sflag:s26], $0x80  }
0x34: {  	[sflag:s26] =	ssyncset.done $0x0  }
0x35: {  	[sflag:s26] =	ssyncadd.s32 $0xFFFFFF80  }
0x36: {  	_ =	swait.ge [sflag:s26], $0x100  }
0x37: {  	[sflag:s26] =	ssyncset.done $0x0  }
0x38: {  	[sflag:s26] =	ssyncadd.s32 $0xFFFFFF00  }
0x39: {  	_ =	swait.ge [sflag:s26], $0x80  }
0x3a: {  	[sflag:s26] =	ssyncset.done $0x0  }
0x3b: {  	s28 =	simm.s32 $0x80;
	[sflag:s26] =	ssyncadd.s32 $0xFFFFFF80  }
0x3c: {  	s10 =	simm.s32 $0x200;
	s11 =	simm.s32 $0x300;
	[bflag:$0x0] =	sbarrier.arrive $0xFFFF  }
0x3d: {  	[spmem:s6] =	stream.indirect.scatter.add.f32 [tilespmem:s11], [sflag:$0x1], $0x1, s10, s28, $0xb8;
	[tilespmem:$0x2910] =	vst v63  }
0x3e: {  	s29 =	simm.s32 $0x280;
	s30 =	simm.s32 $0x380  }
0x3f: {  	[spmem:s6] =	stream.indirect.scatter.add.f32 [tilespmem:s30], [sflag:$0x1], $0x1, s29, s28, $0xb8;
	[tilespmem:$0x2910] =	vst v63  }
0x40: {  	_ =	swait.ge [sflag:s26], $0x80  }
0x41: {  	[sflag:s26] =	ssyncset.done $0x0  }
0x42: {  	[sflag:s26] =	ssyncadd.s32 $0xFFFFFF80  }
0x43: {  	_ =	swait.ge [sflag:s26], $0x80  }
0x44: {  	[sflag:s26] =	ssyncset.done $0x0  }
0x45: {  	[sflag:s26] =	ssyncadd.s32 $0xFFFFFF80  }
0x46: {  	s31 =	simm.s32 $0x1380;
	[bflag:$0x0] =	sbarrier.arrive $0xFFFF  }
0x47: {  	[tilespmem:s31], [sflag:$0x2] =	stream.linear.gather [spmem:s6], $0x100, $0x38;
	[tilespmem:$0x2910] =	vst v63  }
0x48: {  	_ =	swait.ge [sflag:s25], $0x100  }
0x49: {  	[sflag:s25] =	ssyncset.done $0x0  }
0x4a: {  	s7 =	simm.s32 $0x0;
	[sflag:s25] =	ssyncadd.s32 $0xFFFFFF00  }
0x4b: {  	v0 =	vld [tilespmem:s7+$0x1380];
	_ =	sdelay $0x4  }
0x4c: {  	s6 =	simm.s32 $0x10;
	v0 =	vadd.f32 $1.000000000e+00, v0  }
0x4d: {  	v1 =	vld [tilespmem:s6+$0x1380]  }
0x4e: {  	v2 =	vshra.s32 v0, $0x1;
	v3 =	vmul.f32 $5.000000000e-01, v0  }
0x4f: {  	v0 =	vsub.s32 $0x5F3759DF, v2  }
0x50: {  	v2 =	vmul.f32 v0, v3  }
0x51: {  	s8 =	simm.s32 $0x20  }
0x52: {  	v4 =	vld [tilespmem:s8+$0x1380];
	v1 =	vadd.f32 $1.000000000e+00, v1;
	v2 =	vmul.f32 v0, v2;
	_ =	sdelay $0x1  }
0x53: {  	v5 =	vshra.s32 v1, $0x1;
	v7 =	vmul.f32 $5.000000000e-01, v1;
	v1 =	vsub.f32 $1.500000000e+00, v2  }
0x54: {  	v2 =	vsub.s32 $0x5F3759DF, v5  }
0x55: {  	v5 =	vmul.f32 v2, v7;
	v1 =	vmul.f32 v0, v1  }
0x56: {  	s9 =	simm.s32 $0x30;
	v0 =	vadd.f32 $1.000000000e+00, v4  }
0x57: {  	v4 =	vld [tilespmem:s9+$0x1380];
	v5 =	vmul.f32 v2, v5;
	v6 =	vmul.f32 v1, v3  }
0x58: {  	v8 =	vshra.s32 v0, $0x1;
	v0 =	vmul.f32 $5.000000000e-01, v0  }
0x59: {  	v5 =	vsub.f32 $1.500000000e+00, v5;
	v8 =	vsub.s32 $0x5F3759DF, v8;
	v6 =	vmul.f32 v6, v1  }
0x5a: {  	v9 =	vmul.f32 v8, v0  }
0x5b: {  	v2 =	vmul.f32 v2, v5;
	v5 =	vsub.f32 $1.500000000e+00, v6  }
0x5c: {  	v4 =	vadd.f32 $1.000000000e+00, v4;
	v9 =	vmul.f32 v8, v9  }
0x5d: {  	s10 =	simm.s32 $0x40;
	v10 =	vmul.f32 v2, v7;
	v5 =	vmul.f32 v5, v1  }
0x5e: {  	v6 =	vld [tilespmem:s10+$0x1380];
	v11 =	vshra.s32 v4, $0x1;
	v1 =	vmul.f32 $5.000000000e-01, v4;
	v4 =	vsub.f32 $1.500000000e+00, v9  }
0x5f: {  	v12 =	vsub.s32 $0x5F3759DF, v11;
	v9 =	vmul.f32 v10, v2;
	v3 =	vmul.f32 v5, v3  }
0x60: {  	v10 =	vmul.f32 v12, v1;
	v4 =	vmul.f32 v8, v4  }
0x61: {  	v8 =	vsub.f32 $1.500000000e+00, v9;
	v3 =	vmul.f32 v3, v5  }
0x62: {  	v9 =	vmul.f32 v12, v10;
	v10 =	vmul.f32 v4, v0  }
0x63: {  	s11 =	simm.s32 $0x50;
	v6 =	vadd.f32 $1.000000000e+00, v6;
	v2 =	vmul.f32 v8, v2  }
0x64: {  	v13 =	vsub.f32 $1.500000000e+00, v3;
	v14 =	vsub.f32 $1.500000000e+00, v9;
	v9 =	vmul.f32 v10, v4;
	v10 =	vld [tilespmem:s11+$0x1380]  }
0x65: {  	v11 =	vshra.s32 v6, $0x1;
	v3 =	vmul.f32 $5.000000000e-01, v6  }
0x66: {  	v6 =	vsub.s32 $0x5F3759DF, v11;
	v8 =	vmul.f32 v2, v7;
	v5 =	vmul.f32 v13, v5  }
0x67: {  	s12 =	simm.s32 $0x180;
	v11 =	vmul.f32 v6, v3;
	v7 =	vmul.f32 v12, v14  }
.LBB2_4:
0x68: {  	s13 =	sshra.s32 s12, $0x2  }
0x69: {  	v12 =	vadd.f32 $1.000000000e+00, v10;
	v9 =	vsub.f32 $1.500000000e+00, v9;
	v8 =	vmul.f32 v8, v2;
	[tilespmem:s7+$0x1480] =	vst v5;
	s7 =	smov.u32 s6;
	s6 =	smov.u32 s8;
	p1 =	sne.s32 s12, $0x3C0  }
.Ltmp2:
0x6a: {  	s8 =	smov.u32 s9;
	s9 =	smov.u32 s10;
	v10 =	vld [tilespmem:s13+$0x1380];
	v5 =	vmul.f32 v6, v11;
	v11 =	vmul.f32 v7, v1;
	(pc) =	sbr.rel @p1 .LBB2_4-.Ltmp2, $4  }
0x6b: {  	s12 =	sadd.s32 $0x40, s12;
	s10 =	smov.u32 s11;
	v13 =	vshra.s32 v12, $0x1;
	v14 =	vmul.f32 v9, v4;
	v15 =	vsub.f32 $1.500000000e+00, v8;
	v4 =	vmovc v7  }
0x6c: {  	s11 =	smov.u32 s13;
	v12 =	vmul.f32 $5.000000000e-01, v12;
	v7 =	vsub.f32 $1.500000000e+00, v5;
	v9 =	vmul.f32 v11, v4  }
0x6d: {  	v13 =	vsub.s32 $0x5F3759DF, v13;
	v8 =	vmul.f32 v14, v0;
	v5 =	vmul.f32 v15, v2;
	v2 =	vmovc v14;
	v0 =	vmovc v1  }
0x6e: {  	v11 =	vmul.f32 v13, v12;
	v1 =	vmovc v3;
	v3 =	vmovc v12;
	v7 =	vmul.f32 v6, v7;
	v6 =	vmov v13  }
0x6f: {  	v10 =	vadd.f32 $1.000000000e+00, v10;
	_ =	sdelay $0x1  }
0x70: {  	v12 =	vshra.s32 v10, $0x1;
	v10 =	vmul.f32 $5.000000000e-01, v10  }
0x71: {  	v12 =	vsub.s32 $0x5F3759DF, v12  }
0x72: {  	v13 =	vmul.f32 v12, v10  }
0x73: {  	v11 =	vmul.f32 v6, v11  }
0x74: {  	v13 =	vmul.f32 v12, v13  }
0x75: {  	v11 =	vsub.f32 $1.500000000e+00, v11  }
0x76: {  	v13 =	vsub.f32 $1.500000000e+00, v13  }
0x77: {  	v27 =	vmul.f32 v6, v11  }
0x78: {  	v28 =	vmul.f32 v7, v1;
	v12 =	vmul.f32 v12, v13  }
0x79: {  	v29 =	vmul.f32 v27, v3  }
0x7a: {  	v11 =	vmul.f32 v28, v7;
	v14 =	vmul.f32 v12, v10  }
0x7b: {  	v9 =	vsub.f32 $1.500000000e+00, v9;
	v13 =	vmul.f32 v29, v27  }
0x7c: {  	v11 =	vsub.f32 $1.500000000e+00, v11;
	v14 =	vmul.f32 v14, v12  }
0x7d: {  	v4 =	vmul.f32 v9, v4;
	v30 =	vsub.f32 $1.500000000e+00, v13  }
0x7e: {  	v8 =	vmul.f32 v8, v2;
	v31 =	vmul.f32 v11, v7;
	v32 =	vsub.f32 $1.500000000e+00, v14  }
0x7f: {  	v0 =	vmul.f32 v4, v0;
	v6 =	vmul.f32 v30, v27  }
0x80: {  	v1 =	vmul.f32 v31, v1;
	v33 =	vmul.f32 v32, v12  }
0x81: {  	v0 =	vmul.f32 v0, v4;
	v3 =	vmul.f32 v6, v3  }
0x82: {  	v8 =	vsub.f32 $1.500000000e+00, v8;
	v1 =	vmul.f32 v1, v31;
	v10 =	vmul.f32 v33, v10  }
0x83: {  	v0 =	vsub.f32 $1.500000000e+00, v0;
	v3 =	vmul.f32 v3, v6  }
0x84: {  	v2 =	vmul.f32 v8, v2;
	v1 =	vsub.f32 $1.500000000e+00, v1;
	v34 =	vmul.f32 v10, v33  }
0x85: {  	[tilespmem:s7+$0x1480] =	vst v5;
	v0 =	vmul.f32 v0, v4;
	v3 =	vsub.f32 $1.500000000e+00, v3  }
0x86: {  	[tilespmem:s6+$0x1480] =	vst v2;
	v1 =	vmul.f32 v1, v31;
	v2 =	vsub.f32 $1.500000000e+00, v34  }
0x87: {  	[tilespmem:s8+$0x1480] =	vst v0;
	v0 =	vmul.f32 v3, v6  }
0x88: {  	[tilespmem:s9+$0x1480] =	vst v1;
	v1 =	vmul.f32 v2, v33  }
0x89: {  	[tilespmem:s10+$0x1480] =	vst v0  }
0x8a: {  	[tilespmem:s11+$0x1480] =	vst v1  }
0x8b: {  	v0 =	vld [tilespmem:$0x0]  }
0x8c: {  	v1 =	vld [tilespmem:$0x80];
	_ =	sdelay $0x5  }
0x8d: {  	s31 =	simm.s32 $0x1480  }
0x8e: {  	v2 =	vld.idx.msk [tilespmem:v0+s31+$0x0], $0xffff  }
0x8f: {  	v3 =	vld.idx.msk [tilespmem:v1+s31+$0x0], $0xffff  }
0x90: {  	v35 =	vld [tilespmem:$0x10]  }
0x91: {  	v5 =	vld [tilespmem:$0x90];
	_ =	sdelay $0x1  }
0x92: {  	vm0 =	vgt.s32 v1, $0x7F  }
0x93: {  	v2 =	vmul.f32 v3, v2;
	v3 =	vshll.u32 v0, $0x7;
	v0 =	vimm.s32 $0x0  }
0x94: {  	v1 =	vadd.s32 v1, v3;
	v3 =	vsel vm0, $0x7B80, v0  }
0x95: {  	[tilespmem:$0x1580] =	vst v2;
	v1 =	vadd.s32 v3, v1  }
0x96: {  	[tilespmem:$0x1780] =	vst v1  }
0x97: {  	v1 =	vld.idx.msk [tilespmem:v35+s31+$0x0], $0xffff  }
0x98: {  	v2 =	vld.idx.msk [tilespmem:v5+s31+$0x0], $0xffff  }
0x99: {  	v3 =	vld [tilespmem:$0x20]  }
0x9a: {  	v36 =	vld [tilespmem:$0xA0];
	_ =	sdelay $0x2  }
0x9b: {  	vm13 =	vgt.s32 v5, $0x7F;
	v1 =	vmul.f32 v2, v1;
	v2 =	vshll.u32 v35, $0x7  }
0x9c: {  	v37 =	vsel vm13, $0x7B80, v0;
	v2 =	vadd.s32 v5, v2  }
0x9d: {  	[tilespmem:$0x1590] =	vst v1;
	v1 =	vadd.s32 v37, v2  }
0x9e: {  	[tilespmem:$0x1790] =	vst v1  }
0x9f: {  	v1 =	vld.idx.msk [tilespmem:v3+s31+$0x0], $0xffff  }
0xa0: {  	v2 =	vld.idx.msk [tilespmem:v36+s31+$0x0], $0xffff  }
0xa1: {  	v38 =	vld [tilespmem:$0x30]  }
0xa2: {  	v39 =	vld [tilespmem:$0xB0];
	_ =	sdelay $0x2  }
0xa3: {  	vm14 =	vgt.s32 v36, $0x7F;
	v1 =	vmul.f32 v2, v1;
	v2 =	vshll.u32 v3, $0x7  }
0xa4: {  	v3 =	vsel vm14, $0x7B80, v0;
	v2 =	vadd.s32 v36, v2  }
0xa5: {  	[tilespmem:$0x15A0] =	vst v1;
	v1 =	vadd.s32 v3, v2  }
0xa6: {  	[tilespmem:$0x17A0] =	vst v1  }
0xa7: {  	v1 =	vld.idx.msk [tilespmem:v38+s31+$0x0], $0xffff  }
0xa8: {  	v2 =	vld.idx.msk [tilespmem:v39+s31+$0x0], $0xffff  }
0xa9: {  	v3 =	vld [tilespmem:$0x40]  }
0xaa: {  	v40 =	vld [tilespmem:$0xC0];
	_ =	sdelay $0x2  }
0xab: {  	vm15 =	vgt.s32 v39, $0x7F;
	v1 =	vmul.f32 v2, v1;
	v2 =	vshll.u32 v38, $0x7  }
0xac: {  	v41 =	vsel vm15, $0x7B80, v0;
	v2 =	vadd.s32 v39, v2  }
0xad: {  	[tilespmem:$0x15B0] =	vst v1;
	v1 =	vadd.s32 v41, v2  }
0xae: {  	[tilespmem:$0x17B0] =	vst v1  }
0xaf: {  	v1 =	vld.idx.msk [tilespmem:v3+s31+$0x0], $0xffff  }
0xb0: {  	v2 =	vld.idx.msk [tilespmem:v40+s31+$0x0], $0xffff  }
0xb1: {  	v42 =	vld [tilespmem:$0x50]  }
0xb2: {  	v43 =	vld [tilespmem:$0xD0];
	_ =	sdelay $0x2  }
0xb3: {  	vm4 =	vgt.s32 v40, $0x7F;
	v1 =	vmul.f32 v2, v1;
	v2 =	vshll.u32 v3, $0x7  }
0xb4: {  	v3 =	vsel vm4, $0x7B80, v0;
	v2 =	vadd.s32 v40, v2  }
0xb5: {  	[tilespmem:$0x15C0] =	vst v1;
	v1 =	vadd.s32 v3, v2  }
0xb6: {  	[tilespmem:$0x17C0] =	vst v1  }
0xb7: {  	v1 =	vld.idx.msk [tilespmem:v42+s31+$0x0], $0xffff  }
0xb8: {  	v2 =	vld.idx.msk [tilespmem:v43+s31+$0x0], $0xffff  }
0xb9: {  	v3 =	vld [tilespmem:$0x60]  }
0xba: {  	v44 =	vld [tilespmem:$0xE0];
	_ =	sdelay $0x2  }
0xbb: {  	vm5 =	vgt.s32 v43, $0x7F;
	v1 =	vmul.f32 v2, v1;
	v2 =	vshll.u32 v42, $0x7  }
0xbc: {  	v45 =	vsel vm5, $0x7B80, v0;
	v2 =	vadd.s32 v43, v2  }
0xbd: {  	[tilespmem:$0x15D0] =	vst v1;
	v1 =	vadd.s32 v45, v2  }
0xbe: {  	[tilespmem:$0x17D0] =	vst v1  }
0xbf: {  	v1 =	vld.idx.msk [tilespmem:v3+s31+$0x0], $0xffff  }
0xc0: {  	v2 =	vld.idx.msk [tilespmem:v44+s31+$0x0], $0xffff  }
0xc1: {  	v46 =	vld [tilespmem:$0x70]  }
0xc2: {  	v47 =	vld [tilespmem:$0xF0];
	_ =	sdelay $0x2  }
0xc3: {  	vm6 =	vgt.s32 v44, $0x7F;
	v1 =	vmul.f32 v2, v1;
	v2 =	vshll.u32 v3, $0x7  }
0xc4: {  	v3 =	vsel vm6, $0x7B80, v0;
	v2 =	vadd.s32 v44, v2  }
0xc5: {  	[tilespmem:$0x15E0] =	vst v1;
	v1 =	vadd.s32 v3, v2  }
0xc6: {  	[tilespmem:$0x17E0] =	vst v1  }
0xc7: {  	v1 =	vld.idx.msk [tilespmem:v46+s31+$0x0], $0xffff  }
0xc8: {  	v2 =	vld.idx.msk [tilespmem:v47+s31+$0x0], $0xffff  }
0xc9: {  	v3 =	vld [tilespmem:$0x100]  }
0xca: {  	v48 =	vld [tilespmem:$0x180];
	_ =	sdelay $0x2  }
0xcb: {  	vm7 =	vgt.s32 v47, $0x7F;
	v1 =	vmul.f32 v2, v1;
	v2 =	vshll.u32 v46, $0x7  }
0xcc: {  	v49 =	vsel vm7, $0x7B80, v0;
	v2 =	vadd.s32 v47, v2  }
0xcd: {  	[tilespmem:$0x15F0] =	vst v1;
	v1 =	vadd.s32 v49, v2  }
0xce: {  	[tilespmem:$0x17F0] =	vst v1  }
0xcf: {  	v1 =	vld.idx.msk [tilespmem:v3+s31+$0x0], $0xffff  }
0xd0: {  	v2 =	vld.idx.msk [tilespmem:v48+s31+$0x0], $0xffff  }
0xd1: {  	v50 =	vld [tilespmem:$0x110]  }
0xd2: {  	v51 =	vld [tilespmem:$0x190];
	_ =	sdelay $0x2  }
0xd3: {  	vm8 =	vgt.s32 v48, $0x7F;
	v1 =	vmul.f32 v2, v1;
	v2 =	vshll.u32 v3, $0x7  }
0xd4: {  	v3 =	vsel vm8, $0x7B80, v0;
	v2 =	vadd.s32 v48, v2  }
0xd5: {  	[tilespmem:$0x1600] =	vst v1;
	v1 =	vadd.s32 v3, v2  }
0xd6: {  	[tilespmem:$0x1800] =	vst v1  }
0xd7: {  	v1 =	vld.idx.msk [tilespmem:v50+s31+$0x0], $0xffff  }
0xd8: {  	v2 =	vld.idx.msk [tilespmem:v51+s31+$0x0], $0xffff  }
0xd9: {  	v3 =	vld [tilespmem:$0x120]  }
0xda: {  	v52 =	vld [tilespmem:$0x1A0];
	_ =	sdelay $0x2  }
0xdb: {  	vm9 =	vgt.s32 v51, $0x7F;
	v1 =	vmul.f32 v2, v1;
	v2 =	vshll.u32 v50, $0x7  }
0xdc: {  	v53 =	vsel vm9, $0x7B80, v0;
	v2 =	vadd.s32 v51, v2  }
0xdd: {  	[tilespmem:$0x1610] =	vst v1;
	v1 =	vadd.s32 v53, v2  }
0xde: {  	[tilespmem:$0x1810] =	vst v1  }
0xdf: {  	v1 =	vld.idx.msk [tilespmem:v3+s31+$0x0], $0xffff  }
0xe0: {  	v2 =	vld.idx.msk [tilespmem:v52+s31+$0x0], $0xffff  }
0xe1: {  	v54 =	vld [tilespmem:$0x130]  }
0xe2: {  	v55 =	vld [tilespmem:$0x1B0];
	_ =	sdelay $0x2  }
0xe3: {  	vm10 =	vgt.s32 v52, $0x7F;
	v1 =	vmul.f32 v2, v1;
	v2 =	vshll.u32 v3, $0x7  }
0xe4: {  	v3 =	vsel vm10, $0x7B80, v0;
	v2 =	vadd.s32 v52, v2  }
0xe5: {  	[tilespmem:$0x1620] =	vst v1;
	v1 =	vadd.s32 v3, v2  }
0xe6: {  	[tilespmem:$0x1820] =	vst v1  }
0xe7: {  	v1 =	vld.idx.msk [tilespmem:v54+s31+$0x0], $0xffff  }
0xe8: {  	v2 =	vld.idx.msk [tilespmem:v55+s31+$0x0], $0xffff  }
0xe9: {  	v3 =	vld [tilespmem:$0x140]  }
0xea: {  	v56 =	vld [tilespmem:$0x1C0];
	_ =	sdelay $0x2  }
0xeb: {  	vm11 =	vgt.s32 v55, $0x7F;
	v1 =	vmul.f32 v2, v1;
	v2 =	vshll.u32 v54, $0x7  }
0xec: {  	v57 =	vsel vm11, $0x7B80, v0;
	v2 =	vadd.s32 v55, v2  }
0xed: {  	[tilespmem:$0x1630] =	vst v1;
	v1 =	vadd.s32 v57, v2  }
0xee: {  	[tilespmem:$0x1830] =	vst v1  }
0xef: {  	v1 =	vld.idx.msk [tilespmem:v3+s31+$0x0], $0xffff  }
0xf0: {  	v2 =	vld.idx.msk [tilespmem:v56+s31+$0x0], $0xffff  }
0xf1: {  	v58 =	vld [tilespmem:$0x150]  }
0xf2: {  	v59 =	vld [tilespmem:$0x1D0];
	_ =	sdelay $0x2  }
0xf3: {  	vm12 =	vgt.s32 v56, $0x7F;
	v1 =	vmul.f32 v2, v1;
	v2 =	vshll.u32 v3, $0x7  }
0xf4: {  	v3 =	vsel vm12, $0x7B80, v0;
	v2 =	vadd.s32 v56, v2  }
0xf5: {  	[tilespmem:$0x1640] =	vst v1;
	v1 =	vadd.s32 v3, v2  }
0xf6: {  	[tilespmem:$0x1840] =	vst v1  }
0xf7: {  	v1 =	vld.idx.msk [tilespmem:v58+s31+$0x0], $0xffff  }
0xf8: {  	v2 =	vld.idx.msk [tilespmem:v59+s31+$0x0], $0xffff  }
0xf9: {  	v3 =	vld [tilespmem:$0x160]  }
0xfa: {  	v60 =	vld [tilespmem:$0x1E0];
	_ =	sdelay $0x2  }
0xfb: {  	vm13 =	vgt.s32 v59, $0x7F;
	v1 =	vmul.f32 v2, v1;
	v2 =	vshll.u32 v58, $0x7  }
0xfc: {  	v61 =	vsel vm13, $0x7B80, v0;
	v2 =	vadd.s32 v59, v2  }
0xfd: {  	[tilespmem:$0x1650] =	vst v1;
	v1 =	vadd.s32 v61, v2  }
0xfe: {  	[tilespmem:$0x1850] =	vst v1  }
0xff: {  	v1 =	vld.idx.msk [tilespmem:v3+s31+$0x0], $0xffff  }
0x100: {  	v2 =	vld.idx.msk [tilespmem:v60+s31+$0x0], $0xffff  }
0x101: {  	v62 =	vld [tilespmem:$0x170]  }
0x102: {  	v63 =	vld [tilespmem:$0x1F0];
	_ =	sdelay $0x2  }
0x103: {  	vm14 =	vgt.s32 v60, $0x7F;
	v1 =	vmul.f32 v2, v1;
	v2 =	vshll.u32 v3, $0x7  }
0x104: {  	v3 =	vsel vm14, $0x7B80, v0;
	v2 =	vadd.s32 v60, v2  }
0x105: {  	[tilespmem:$0x1660] =	vst v1;
	v1 =	vadd.s32 v3, v2  }
0x106: {  	[tilespmem:$0x1860] =	vst v1  }
0x107: {  	v1 =	vld.idx.msk [tilespmem:v62+s31+$0x0], $0xffff  }
0x108: {  	v2 =	vld.idx.msk [tilespmem:v63+s31+$0x0], $0xffff;
	_ =	sdelay $0x2  }
0x109: {  	p1 =	sgt.u32 s2, $0x1  }
.Ltmp3:
0x10a: {  	_ = 	snop;
	(pc) =	sbr.rel @p1 .LBB2_9-.Ltmp3, $4  }
0x10b: {  	vm15 =	vgt.s32 v63, $0x7F;
	v1 =	vmul.f32 v2, v1;
	v2 =	vshll.u32 v62, $0x7  }
0x10c: {  	v3 =	vsel vm15, $0x7B80, v0;
	v2 =	vadd.s32 v63, v2  }
0x10d: {  	[tilespmem:$0x1670] =	vst v1;
	v1 =	vadd.s32 v3, v2  }
0x10e: {  	[tilespmem:$0x1870] =	vst v1  }
0x10f: {  	v2 =	vld [tilespmem:s5+$0x0];
	_ =	sdelay $0x1  }
0x110: {  	s6 =	simm.s32 $0x0  }
0x111: {  	v1 =	vlaneseq.u32;
	s6 =	sor.u32 s4, s6  }
0x112: {  	v3 =	vmov s6;
	v4 =	vor.u32 s6, v1  }
0x113: {  	v5 =	vmul.u32 $0x81, v4;
	vm0 =	vgt.u32 v3, $0x7F;
	v2 =	vmul.f32 v2, v2  }
0x114: {  	vm1 =	vlt.u32 v4, $0xF8;
	v3 =	vsel vm0, $0x7B80, v0  }
0x115: {  	s6 =	simm.s32 $0x1680;
	v3 =	vadd.s32 v3, v5;
	v2 =	vnsel vm1, $0x0, v2  }
0x116: {  	s7 =	simm.s32 $0x1880;
	[tilespmem:s6+$0x0] =	vst v2;
	v2 =	vnsel vm1, $0xF7FF, v3  }
0x117: {  	s5 =	sadd.s32 $0x10, s5;
	[tilespmem:s7+$0x0] =	vst v2  }
0x118: {  	v2 =	vld [tilespmem:s5+$0x0]  }
0x119: {  	s8 =	simm.s32 $0x10;
	s9 =	simm.s32 $0x20  }
.LBB2_7:
0x11a: {  	p1 =	sne.s32 s9, $0x70  }
0x11b: {  	s10 =	sor.u32 s4, s8;
	s8 =	smov.u32 s9  }
0x11c: {  	v3 =	vmov s10;
	v4 =	vor.u32 s10, v1  }
0x11d: {  	v5 =	vmul.u32 $0x81, v4;
	vm0 =	vgt.u32 v3, $0x7F;
	v2 =	vmul.f32 v2, v2  }
0x11e: {  	vm1 =	vlt.u32 v4, $0xF8;
	v3 =	vsel vm0, $0x7B80, v0  }
.Ltmp4:
0x11f: {  	s6 =	sadd.s32 $0x10, s6;
	v3 =	vadd.s32 v3, v5;
	v2 =	vnsel vm1, $0x0, v2;
	(pc) =	sbr.rel @p1 .LBB2_7-.Ltmp4, $4  }
0x120: {  	s7 =	sadd.s32 $0x10, s7;
	[tilespmem:s6+$0x0] =	vst v2;
	v2 =	vnsel vm1, $0xF7FF, v3  }
0x121: {  	s5 =	sadd.s32 $0x10, s5;
	[tilespmem:s7+$0x0] =	vst v2  }
0x122: {  	v2 =	vld [tilespmem:s5+$0x0]  }
0x123: {  	s9 =	sadd.s32 $0x10, s9  }
0x124: {  	_ = 	snop  }
0x125: {  	s4 =	sor.u32 s4, s8  }
0x126: {  	v3 =	vmov s4;
	v1 =	vor.u32 s4, v1  }
0x127: {  	v4 =	vmul.u32 $0x81, v1;
	vm0 =	vgt.u32 v3, $0x7F;
	v2 =	vmul.f32 v2, v2  }
0x128: {  	vm1 =	vlt.u32 v1, $0xF8;
	v0 =	vsel vm0, $0x7B80, v0  }
0x129: {  	s22 =	sadd.s32 $0x10, s6;
	v0 =	vadd.s32 v0, v4;
	v1 =	vnsel vm1, $0x0, v2  }
0x12a: {  	s23 =	sadd.s32 $0x10, s7;
	v0 =	vnsel vm1, $0xF7FF, v0;
	[tilespmem:s22+$0x0] =	vst v1  }
0x12b: {  	s24 =	simm.s32 $0x80;
	s5 =	simm.s32 $0x1780;
	s25 =	simm.s32 $0x1580;
	[tilespmem:s23+$0x0] =	vst v0  }
0x12c: {  	[spmem:s3] =	stream.indirect.scatter.add.f32 [tilespmem:s25], [sflag:$0x1], $0x1, s5, s24, $0xb8;
	[tilespmem:$0x2910] =	vst v63  }
0x12d: {  	s26 =	simm.s32 $0x1800;
	s28 =	simm.s32 $0x1600;
	s29 =	simm.s32 $0x1880  }
0x12e: {  	[spmem:s3] =	stream.indirect.scatter.add.f32 [tilespmem:s28], [sflag:$0x1], $0x1, s26, s24, $0xb8;
	[tilespmem:$0x2910] =	vst v63  }
.Ltmp5:
0x12f: {  	s30 =	simm.s32 $0x1680;
	s31 =	simm.s32 $0x2;
	(pc) =	sbr.rel .LBB2_10-.Ltmp5, $4  }
0x130: {  	[spmem:s3] =	stream.indirect.scatter.add.f32 [tilespmem:s30], [sflag:$0x2], $0x1, s29, s24, $0xb8;
	[tilespmem:$0x2910] =	vst v63  }
0x131: {  	_ =	swait.ge [sflag:s31], $0x80  }
0x132: {  	[sflag:s31] =	ssyncset.done $0x0  }
0x133: {  	[sflag:s31] =	ssyncadd.s32 $0xFFFFFF80  }
.LBB2_9:
0x134: {  	s4 =	simm.s32 $0x80;
	s5 =	simm.s32 $0x1780;
	s6 =	simm.s32 $0x1580  }
0x135: {  	[spmem:s3] =	stream.indirect.scatter.add.f32 [tilespmem:s6], [sflag:$0x1], $0x1, s5, s4, $0xb8;
	[tilespmem:$0x2910] =	vst v63  }
0x136: {  	s30 =	simm.s32 $0x1800;
	s31 =	simm.s32 $0x1600  }
0x137: {  	[spmem:s3] =	stream.indirect.scatter.add.f32 [tilespmem:s31], [sflag:$0x1], $0x1, s30, s4, $0xb8;
	[tilespmem:$0x2910] =	vst v63  }
.LBB2_10:
0x138: {  	s4 =	simm.s32 $0x1  }
0x139: {  	_ =	swait.ge [sflag:s4], $0x80  }
0x13a: {  	[sflag:s4] =	ssyncset.done $0x0  }
0x13b: {  	[sflag:s4] =	ssyncadd.s32 $0xFFFFFF80  }
0x13c: {  	_ =	swait.ge [sflag:s4], $0x80  }
0x13d: {  	[sflag:s4] =	ssyncset.done $0x0  }
0x13e: {  	[sflag:s4] =	ssyncadd.s32 $0xFFFFFF80  }
0x13f: {  	s3 =	sshrl.u32 @!p0 s3, $0x3;
	s4 =	simm.s32 @!p0 $0x1C02;
	[bflag:$0x0] =	sbarrier.arrive $0xFFFF  }
0x140: {  	[hbm:s1], [sflag:s4] =	dma.local @!p0 [spmem:s3], $0x1F00  }
0x141: {  	s1 =	simm.s32 @!p0 $0x2  }
0x142: {  	_ =	swait.ge @!p0 [sflag:s1], $0x1F00  }
0x143: {  	[sflag:s1] =	ssyncset.done @!p0 $0x0  }
0x144: {  	[sflag:s1] =	ssyncadd.s32 @!p0 $0xFFFFE100  }
.LBB2_11:
0x145: {  	_ =	sfence.sel $0x180000  }
0x146: {  	[bflag:$0x0] =	sbarrier.arrive $0xFFFF  }
0x147: {  	p0 =	sne.s32 s2, $0x0;
	_ =	strace $0x90000047  }
0x148: {  	s0 =	sadd.s32 @!p0 $0x100000, s0;
	[bflag:$0x2] =	sbarrier.arrive $0xFFFF  }
0x149: {  	[sflag:s0] =	ssyncadd.tile.s32 @!p0 $0x1;
	_ =	shalt  }
.Lfunc_end2:
_tile_overlayer_lowered:
.L_overlay_start_2:
0x14a: {  	(tag) =	ssettag $0x2  }
0x14b: {  	s0 =	rddreg [dreg:$0x0];
	s2 =	stileid.u32  }
0x14c: {  	s1 =	rddreg [dreg:$0x1];
	p0 =	sne.s32 s2, $0x0  }
0x14d: {  	s3 =	rddreg [dreg:$0x2];
	[bflag:$0x3] =	sbarrier.arrive $0xFFFF;
	s2 =	simm.s32 @!p0 $0x1C02  }
0x14e: {  	[timem:s3], [sflag:s2] =	dma.local @!p0 [hbm:s0], s1  }
0x14f: {  	s0 =	simm.s32 @!p0 $0x2  }
0x150: {  	_ =	swait.ge @!p0 [sflag:s0], s1  }
0x151: {  	s1 =	ssub.s32 @!p0 $0x0, s1;
	[sflag:s0] =	ssyncset.done @!p0 $0x0  }
0x152: {  	[sflag:s0] =	ssyncadd.s32 @!p0 s1  }
0x153: {  	[bflag:$0x3] =	sbarrier.arrive $0xFFFF  }
0x154: {  	_ =	shalt  }

</sc_bundles>
